<compile_context>
chip_gen: v7x
topology: tpu7x:2x2x1
jax: 0.10.2.dev20260603
libtpu: 0.0.44.dev20260713+nightly
codegen_flags: <defaults>
</compile_context>

<pallas_src>
import jax
import jax.numpy as jnp
from jax import lax
from jax.experimental import pallas as pl
from jax.experimental.pallas import tpu as pltpu
from jax.experimental.pallas import tpu_sc as plsc

N = 10000
E = 320000
D = 128
GATE_TYPES = 26
NUM_OUT = 64

NC = 2
NS = 16
LANES = 16

N_PAD = 10240
ROWW = 144
K = 64
SLAB_E = 1024
SLAB_CH = SLAB_E // K
SLABS = 20
E_PT = SLABS * SLAB_E
E_PAD = NS * E_PT
NODES_PT = N_PAD // NS


def _prep_body(ec_ref, wc_ref, ea_ref, wa_ref, out_ref):
    out_ref[0] = jnp.dot(ec_ref[...], wc_ref[...],
                         preferred_element_type=jnp.float32)
    out_ref[1] = jnp.dot(ea_ref[...], wa_ref[...],
                         preferred_element_type=jnp.float32)


def _prep_tables(embx_c, w1f_c, embx_a, w1f_a):
    return pl.pallas_call(
        _prep_body,
        out_shape=jax.ShapeDtypeStruct((2, 32, D), jnp.float32),
    )(embx_c, w1f_c, embx_a, w1f_a)


GW = 64


def _edge_body(gb_hbm, gt_hbm, src_hbm, dst_hbm, attr_hbm, cnt_hbm,
               zeros_hbm, out_hbm, gb_v, gt_v, src_v, t_v, dst_v, a_v,
               cnt_v, rows0, rows1, acc_sh, sem0, sem1):
    c = lax.axis_index("c")
    s = lax.axis_index("s")

    pltpu.sync_copy(zeros_hbm, acc_sh.at[pl.ds(s * NODES_PT, NODES_PT)])
    pltpu.sync_copy(gb_hbm.at[c], gb_v)
    pltpu.sync_copy(gt_hbm, gt_v)
    pltpu.sync_copy(cnt_hbm, cnt_v)
    plsc.subcore_barrier()

    iota = lax.iota(jnp.int32, LANES)
    NG = D // (2 * LANES)
    bb = [[plsc.bitcast(gb_v[pl.ds((26 + i) * GW + j * LANES, LANES)],
                        jnp.bfloat16)
           for j in range(NG)] for i in range(3)]
    cnt_vec = cnt_v[...]

    rows = (rows0, rows1)
    sems = (sem0, sem1)

    for buf in rows:
        @plsc.parallel_loop(0, K)
        def _init_cnt(rr):
            buf[rr, pl.ds(D, LANES)] = cnt_vec

    def compute_chunk(chunk, buf):
        ebase = chunk * K

        @plsc.parallel_loop(0, K)
        def edge_body(e):
            eg = ebase + e
            e16 = jnp.full((LANES,), eg, jnp.int32)
            t_b = plsc.load_gather(t_v, [e16])
            a1 = plsc.bitcast(plsc.load_gather(a_v, [e16]), jnp.bfloat16)
            a2 = plsc.bitcast(plsc.load_gather(a_v, [e16 + SLAB_E]),
                              jnp.bfloat16)
            a3 = plsc.bitcast(plsc.load_gather(a_v, [e16 + 2 * SLAB_E]),
                              jnp.bfloat16)
            gbase = t_b * GW + iota
            for j in range(NG):
                gw = plsc.load_gather(gb_v, [gbase + j * LANES])
                g = plsc.bitcast(gw, jnp.bfloat16)
                z = g + a1 * bb[0][j] + a2 * bb[1][j] + a3 * bb[2][j]
                rr = jnp.maximum(z, z * jnp.bfloat16(0.01))
                lo, hi = plsc.unpack(rr, format=plsc.PackFormat.INTERLEAVED)
                buf[e, pl.ds(2 * j * LANES, LANES)] = lo
                buf[e, pl.ds((2 * j + 1) * LANES, LANES)] = hi

    def slab_body(sl, hcarry):
        @pl.when(sl > 0)
        def _drain():
            for b in range(2):
                pltpu.make_async_copy(
                    rows[b], acc_sh.at[dst_v.at[SLAB_CH - 2 + b]],
                    sems[b]).wait()

        sbase = s * E_PT + sl * SLAB_E
        pltpu.sync_copy(src_hbm.at[pl.ds(sbase, SLAB_E)], src_v)
        pltpu.sync_copy(dst_hbm.at[pl.ds(sbase // K, SLAB_CH)], dst_v)
        pltpu.sync_copy(attr_hbm.at[pl.ds(3 * sbase, 3 * SLAB_E)], a_v)

        @plsc.parallel_loop(0, SLAB_E // LANES)
        def _pre(g):
            s16 = src_v[pl.ds(g * LANES, LANES)]
            t_v[pl.ds(g * LANES, LANES)] = plsc.load_gather(gt_v, [s16])

        def outer_body(g, carry):
            for b in range(2):
                chunk = g * 2 + b

                @pl.when(g > 0)
                def _wait():
                    pltpu.make_async_copy(
                        rows[b], acc_sh.at[dst_v.at[chunk]], sems[b]).wait()

                compute_chunk(chunk, rows[b])
                pltpu.async_copy(rows[b], acc_sh.at[dst_v.at[chunk]],
                                 sems[b], add=True)
            return carry

        lax.fori_loop(0, SLAB_CH // 2, outer_body, 0)
        return hcarry

    lax.fori_loop(0, SLABS, slab_body, 0)
    for b in range(2):
        pltpu.make_async_copy(
            rows[b], acc_sh.at[dst_v.at[SLAB_CH - 2 + b]], sems[b]).wait()

    plsc.subcore_barrier()
    pltpu.sync_copy(acc_sh.at[pl.ds(s * NODES_PT, NODES_PT)],
                    out_hbm.at[c, pl.ds(s * NODES_PT, NODES_PT)])


def _edge_sums(gbw, gt_pad, src_h, dst_h, attr_h, cnt16, zeros):
    mesh = plsc.VectorSubcoreMesh(core_axis_name="c", subcore_axis_name="s",
                                  num_cores=NC, num_subcores=NS)
    f = pl.kernel(
        _edge_body,
        out_type=jax.ShapeDtypeStruct((NC, N_PAD, ROWW), jnp.float32),
        mesh=mesh,
        compiler_params=pltpu.CompilerParams(use_tc_tiling_on_sc=False,
                                             needs_layout_passes=False),
        scratch_types=[
            pltpu.VMEM((32 * GW,), jnp.int32),
            pltpu.VMEM((N_PAD,), jnp.int32),
            pltpu.VMEM((SLAB_E,), jnp.int32),
            pltpu.VMEM((SLAB_E,), jnp.int32),
            pltpu.VMEM((SLAB_CH, K), jnp.int32),
            pltpu.VMEM((3 * SLAB_E,), jnp.int32),
            pltpu.VMEM((LANES,), jnp.float32),
            pltpu.VMEM((K, ROWW), jnp.float32),
            pltpu.VMEM((K, ROWW), jnp.float32),
            pltpu.VMEM_SHARED((N_PAD, ROWW), jnp.float32),
            pltpu.SemaphoreType.DMA,
            pltpu.SemaphoreType.DMA,
        ],
    )
    return f(gbw, gt_pad, src_h, dst_h, attr_h, cnt16, zeros)


def _node_body(sc_ref, sa_ref, gt_ref, embc_ref, w2hc_ref, w2nc_ref, b2c_ref,
               wc1_ref, bc1_ref, wc2_ref, bc2_ref,
               emba_ref, w2ha_ref, w2na_ref, b2a_ref,
               wa1_ref, ba1_ref, wa2_ref, ba2_ref,
               logits_ref, value_ref):
    gt = gt_ref[...]
    iota = lax.broadcasted_iota(jnp.int32, (gt.shape[0], 32), 1)
    oh = (iota == gt).astype(jnp.float32)
    cnt = sc_ref[0, :, D:D + 1]
    inv = 1.0 / jnp.maximum(cnt, 1.0)

    h_c = jnp.dot(oh, embc_ref[...], preferred_element_type=jnp.float32)
    hn_c = sc_ref[0, :, :D] * inv
    hc = jnp.maximum(
        jnp.dot(h_c, w2hc_ref[...], preferred_element_type=jnp.float32)
        + jnp.dot(hn_c, w2nc_ref[...], preferred_element_type=jnp.float32)
        + b2c_ref[...], 0.0)
    vh = jnp.maximum(
        jnp.dot(hc, wc1_ref[...], preferred_element_type=jnp.float32)
        + bc1_ref[...], 0.0)
    value_ref[...] = (jnp.dot(vh, wc2_ref[...],
                              preferred_element_type=jnp.float32)
                      + bc2_ref[...])

    h_a = jnp.dot(oh, emba_ref[...], preferred_element_type=jnp.float32)
    hn_a = sa_ref[0, :, :D] * inv
    ha = jnp.maximum(
        jnp.dot(h_a, w2ha_ref[...], preferred_element_type=jnp.float32)
        + jnp.dot(hn_a, w2na_ref[...], preferred_element_type=jnp.float32)
        + b2a_ref[...], 0.0)
    lh = jnp.maximum(
        jnp.dot(ha, wa1_ref[...], preferred_element_type=jnp.float32)
        + ba1_ref[...], 0.0)
    logits_ref[...] = (jnp.dot(lh, wa2_ref[...],
                               preferred_element_type=jnp.float32)
                       + ba2_ref[...])


def _node_phase(sc, sa, gt2, embc, w2hc, w2nc, b2c, wc1, bc1, wc2p, bc2p,
                emba, w2ha, w2na, b2a, wa1, ba1, wa2, ba2):
    B = 512
    grid = (N_PAD // B,)
    full = lambda shape: pl.BlockSpec(shape, lambda i: (0, 0))
    return pl.pallas_call(
        _node_body,
        grid=grid,
        in_specs=[
            pl.BlockSpec((1, B, ROWW), lambda i: (0, i, 0)),
            pl.BlockSpec((1, B, ROWW), lambda i: (1, i, 0)),
            pl.BlockSpec((B, 1), lambda i: (i, 0)),
            full((32, D)), full((D, D)), full((D, D)), full((1, D)),
            full((D, D)), full((1, D)), full((D, 8)), full((1, 8)),
            full((32, D)), full((D, D)), full((D, D)), full((1, D)),
            full((D, D)), full((1, D)), full((D, NUM_OUT)),
            full((1, NUM_OUT)),
        ],
        out_specs=[
            pl.BlockSpec((B, NUM_OUT), lambda i: (i, 0)),
            pl.BlockSpec((B, 8), lambda i: (i, 0)),
        ],
        out_shape=[
            jax.ShapeDtypeStruct((N, NUM_OUT), jnp.float32),
            jax.ShapeDtypeStruct((N, 8), jnp.float32),
        ],
    )(sc, sa, gt2, embc, w2hc, w2nc, b2c, wc1, bc1, wc2p, bc2p,
      emba, w2ha, w2na, b2a, wa1, ba1, wa2, ba2)


def _emb_ext(emb):
    ext = jnp.zeros((32, 136), jnp.float32)
    ext = ext.at[:GATE_TYPES, :D].set(emb)
    ext = ext.at[GATE_TYPES:GATE_TYPES + 3, D:D + 3].set(jnp.eye(3))
    return ext


def kernel(gate_type, edge_index, edge_attr,
           emb_c, W1_c, W2_c, b2_c, Wc1, bc1, Wc2, bc2,
           emb_a, W1_a, W2_a, b2_a, Wa1, ba1, Wa2, ba2):
    embx_c = _emb_ext(emb_c)
    embx_a = _emb_ext(emb_a)
    w1f_c = jnp.zeros((136, D), jnp.float32).at[:D + 3].set(W1_c)
    w1f_a = jnp.zeros((136, D), jnp.float32).at[:D + 3].set(W1_a)

    gb = _prep_tables(embx_c, w1f_c, embx_a, w1f_a)
    gbits = jax.lax.bitcast_convert_type(
        gb.astype(jnp.bfloat16), jnp.uint16).astype(jnp.uint32)
    gr = gbits.reshape(NC, 32, D // 32, 2, 16)
    gbw = jax.lax.bitcast_convert_type(
        gr[:, :, :, 0, :] | (gr[:, :, :, 1, :] << 16), jnp.int32)
    gbw = gbw.reshape(NC, 32 * GW)
    cnt16 = jnp.zeros((LANES,), jnp.float32).at[0].set(1.0)

    pad = E_PAD - E
    src_p = jnp.concatenate([edge_index[0],
                             jnp.zeros((pad,), jnp.int32)])
    dst_p = jnp.concatenate([edge_index[1],
                             N + (jnp.arange(pad, dtype=jnp.int32)
                                  % (N_PAD - N))])
    attr_p = jnp.concatenate([edge_attr,
                              jnp.zeros((pad, 3), jnp.float32)], axis=0)
    src_h = src_p
    dst_h = dst_p.reshape(E_PAD // K, K)
    abits = jax.lax.bitcast_convert_type(
        attr_p.astype(jnp.bfloat16), jnp.uint16).astype(jnp.uint32)
    aw = jax.lax.bitcast_convert_type(abits | (abits << 16), jnp.int32)
    attr_h = aw.reshape(E_PAD // SLAB_E, SLAB_E, 3) \
               .transpose(0, 2, 1).reshape(-1)
    gt_pad = jnp.concatenate(
        [gate_type, jnp.zeros((N_PAD - N,), jnp.int32)])
    zeros = jnp.zeros((NODES_PT, ROWW), jnp.float32)

    acc = _edge_sums(gbw, gt_pad, src_h, dst_h, attr_h, cnt16, zeros)

    gt2 = gt_pad.reshape(N_PAD, 1)
    wc2p = jnp.zeros((D, 8), jnp.float32).at[:, :1].set(Wc2)
    bc2p = jnp.zeros((1, 8), jnp.float32).at[:, :1].set(bc2.reshape(1, 1))
    logits_p, value_p = _node_phase(
        acc, acc, gt2,
        embx_c[:, :D], W2_c[:D], W2_c[D:], b2_c.reshape(1, D),
        Wc1, bc1.reshape(1, D), wc2p, bc2p,
        embx_a[:, :D], W2_a[:D], W2_a[D:], b2_a.reshape(1, D),
        Wa1, ba1.reshape(1, D), Wa2, ba2.reshape(1, NUM_OUT))

    return (logits_p, value_p[:, :1])

# --- scband reference (transcript-rebuilt; emitter-appended) ---
"""Pipeline reference for scband-actor-critic-25649544692304 (READ-ONLY COPY).

The authoritative reference and input builder live on the scoring server;
editing this copy changes nothing except your own understanding.
"""

import jax, jax.numpy as jnp
import numpy as np

N = 10000
E = 320000
D = 128
NUM_OUT = 64
GATE_TYPES = 26


def setup_inputs(seed: int = 0) -> dict:
    key = jax.random.key(seed)
    ks = jax.random.split(key, 24)
    gate_type = jax.random.randint(ks[0], (N,), 0, GATE_TYPES, dtype=jnp.int32)
    edge_index = jax.random.randint(ks[1], (2, E), 0, N, dtype=jnp.int32)
    edge_attr = jax.random.normal(ks[2], (E, 3), dtype=jnp.float32)
    def p(k, shape, s=0.05):
        return jax.random.normal(k, shape, dtype=jnp.float32) * s
    # critic QGNN params
    emb_c = p(ks[3], (GATE_TYPES, D), 0.1)
    W1_c = p(ks[4], (D + 3, D))          # QConv.linear1 (no bias)
    W2_c = p(ks[5], (2 * D, D))          # QConv.linear2
    b2_c = jnp.zeros((D,), jnp.float32)
    # critic head
    Wc1 = p(ks[6], (D, D)); bc1 = jnp.zeros((D,), jnp.float32)
    Wc2 = p(ks[7], (D, 1)); bc2 = jnp.zeros((1,), jnp.float32)
    # actor QGNN params
    emb_a = p(ks[8], (GATE_TYPES, D), 0.1)
    W1_a = p(ks[9], (D + 3, D))
    W2_a = p(ks[10], (2 * D, D))
    b2_a = jnp.zeros((D,), jnp.float32)
    # actor head
    Wa1 = p(ks[11], (D, D)); ba1 = jnp.zeros((D,), jnp.float32)
    Wa2 = p(ks[12], (D, NUM_OUT)); ba2 = jnp.zeros((NUM_OUT,), jnp.float32)
    return {"gate_type": gate_type, "edge_index": edge_index, "edge_attr": edge_attr,
            "emb_c": emb_c, "W1_c": W1_c, "W2_c": W2_c, "b2_c": b2_c,
            "Wc1": Wc1, "bc1": bc1, "Wc2": Wc2, "bc2": bc2,
            "emb_a": emb_a, "W1_a": W1_a, "W2_a": W2_a, "b2_a": b2_a,
            "Wa1": Wa1, "ba1": ba1, "Wa2": Wa2, "ba2": ba2}


def _qgnn(gate_type, src, dst, edge_w, emb, W1, W2, b2):
    h = emb[gate_type]                                   # embedding lookup [N, D]
    m = jnp.concatenate([h[src], edge_w], axis=1)        # message: src feat || edge feat
    tmp = jax.nn.leaky_relu(m @ W1)                      # linear1 + leaky_relu (slope 0.01)
    sums = jax.ops.segment_sum(tmp, dst, num_segments=N)
    cnt = jax.ops.segment_sum(jnp.ones((dst.shape[0],), tmp.dtype), dst, num_segments=N)
    h_N = sums / jnp.maximum(cnt, 1.0)[:, None]          # mailbox mean; 0 for isolated nodes
    h_total = jnp.concatenate([h, h_N], axis=1)
    return jax.nn.relu(h_total @ W2 + b2)


def reference(gate_type, edge_index, edge_attr,
              emb_c, W1_c, W2_c, b2_c, Wc1, bc1, Wc2, bc2,
              emb_a, W1_a, W2_a, b2_a, Wa1, ba1, Wa2, ba2):
    src = edge_index[0]
    dst = edge_index[1]
    hc = _qgnn(gate_type, src, dst, edge_attr, emb_c, W1_c, W2_c, b2_c)
    value = jax.nn.relu(hc @ Wc1 + bc1) @ Wc2 + bc2      # [N, 1]
    ha = _qgnn(gate_type, src, dst, edge_attr, emb_a, W1_a, W2_a, b2_a)
    logits = jax.nn.relu(ha @ Wa1 + ba1) @ Wa2 + ba2     # [N, NUM_OUT]
    return (logits, value)

if __name__ == "__main__":
    import jax
    _d = setup_inputs()
    print(jax.jit(kernel)(*tuple(_d.values())))

</pallas_src>

<mosaic_0001>
#map = affine_map<(d0, d1) -> (0, 0)>
#map1 = affine_map<(d0, d1) -> (0)>
#map2 = affine_map<(d0, d1) -> (0, 0, 0)>
module attributes {stable_mosaic.version = 14 : i64} {
  func.func @_edge_body(%arg0: i32, %arg1: i32, %arg2: memref<2x2048xi32, #tpu.memory_space<hbm>>, %arg3: memref<10240xi32, #tpu.memory_space<hbm>>, %arg4: memref<327680xi32, #tpu.memory_space<hbm>>, %arg5: memref<5120x64xi32, #tpu.memory_space<hbm>>, %arg6: memref<983040xi32, #tpu.memory_space<hbm>>, %arg7: memref<16xf32, #tpu.memory_space<hbm>>, %arg8: memref<640x144xf32, #tpu.memory_space<hbm>>, %arg9: memref<2x10240x144xf32, #tpu.memory_space<hbm>>, %arg10: memref<2048xi32, #tpu.memory_space<vmem>>, %arg11: memref<10240xi32, #tpu.memory_space<vmem>>, %arg12: memref<1024xi32, #tpu.memory_space<vmem>>, %arg13: memref<1024xi32, #tpu.memory_space<vmem>>, %arg14: memref<16x64xi32, #tpu.memory_space<vmem>>, %arg15: memref<3072xi32, #tpu.memory_space<vmem>>, %arg16: memref<16xf32, #tpu.memory_space<vmem>>, %arg17: memref<64x144xf32, #tpu.memory_space<vmem>>, %arg18: memref<64x144xf32, #tpu.memory_space<vmem>>, %arg19: memref<10240x144xf32, #tpu.memory_space<vmem_shared>>, %arg20: memref<!tpu.dma_semaphore, #tpu.memory_space<semaphore_mem>>, %arg21: memref<!tpu.dma_semaphore, #tpu.memory_space<semaphore_mem>>) attributes {dimension_semantics = [#tpu.dimension_semantics<core_parallel>, #tpu.dimension_semantics<subcore_parallel>], iteration_bounds = array<i64: 2, 16>, scalar_prefetch = 0 : i64, scratch_operands = 12 : i64, tpu.core_type = #tpu.core_type<sc_vector_subcore>, window_params = [{transform_indices = #map}, {transform_indices = #map1}, {transform_indices = #map1}, {transform_indices = #map}, {transform_indices = #map1}, {transform_indices = #map1}, {transform_indices = #map}, {transform_indices = #map2}]} {
    %mul3A = arith.constant 640 : i32
    %mul3A_0 = arith.muli %arg1, %mul3A : i32
    "tpu.region"() ({
      %run_scoped3A = tpu.sem_alloc : memref<!tpu.dma_semaphore, #tpu.memory_space<semaphore_mem>>
      %dma_start3A = arith.constant 0 : i32
      %dma_start3A_65 = tpu.memref_slice %arg19[%mul3A_0, %dma_start3A] : memref<10240x144xf32, #tpu.memory_space<vmem_shared>> -> memref<640x144xf32, #tpu.memory_space<vmem_shared>>
      tpu.enqueue_dma source(%arg8 : memref<640x144xf32, #tpu.memory_space<hbm>>) target(%dma_start3A_65 : memref<640x144xf32, #tpu.memory_space<vmem_shared>>) target_semaphore(%run_scoped3A : memref<!tpu.dma_semaphore, #tpu.memory_space<semaphore_mem>>)
      %dma_wait3A_66 = arith.constant 0 : i32
      %dma_wait3A_67 = tpu.memref_slice %arg19[%mul3A_0, %dma_wait3A_66] : memref<10240x144xf32, #tpu.memory_space<vmem_shared>> -> memref<640x144xf32, #tpu.memory_space<vmem_shared>>
      tpu.wait_dma2 semaphore(%run_scoped3A : memref<!tpu.dma_semaphore, #tpu.memory_space<semaphore_mem>>) src(%arg8 : memref<640x144xf32, #tpu.memory_space<hbm>>) dst(%dma_wait3A_67 : memref<640x144xf32, #tpu.memory_space<vmem_shared>>)
      tpu.yield
    }) : () -> ()
    "tpu.region"() ({
      %run_scoped3A = tpu.sem_alloc : memref<!tpu.dma_semaphore, #tpu.memory_space<semaphore_mem>>
      %dma_start3A = arith.constant 0 : i32
      %dma_start3A_65 = tpu.memref_slice %arg2[%arg0, %dma_start3A] : memref<2x2048xi32, #tpu.memory_space<hbm>> -> memref<1x2048xi32, #tpu.memory_space<hbm>>
      %dma_start3A_66 = tpu.memref_squeeze %dma_start3A_65 : memref<1x2048xi32, #tpu.memory_space<hbm>> -> memref<2048xi32, #tpu.memory_space<hbm>>
      %dma_start3A_67 = arith.constant 0 : i32
      %dma_start3A_68 = tpu.memref_slice %arg2[%arg0, %dma_start3A_67] : memref<2x2048xi32, #tpu.memory_space<hbm>> -> memref<1x2048xi32, #tpu.memory_space<hbm>>
      %dma_start3A_69 = tpu.memref_squeeze %dma_start3A_68 : memref<1x2048xi32, #tpu.memory_space<hbm>> -> memref<2048xi32, #tpu.memory_space<hbm>>
      tpu.enqueue_dma source(%dma_start3A_69 : memref<2048xi32, #tpu.memory_space<hbm>>) target(%arg10 : memref<2048xi32, #tpu.memory_space<vmem>>) target_semaphore(%run_scoped3A : memref<!tpu.dma_semaphore, #tpu.memory_space<semaphore_mem>>)
      %dma_wait3A_70 = arith.constant 0 : i32
      %dma_wait3A_71 = tpu.memref_slice %arg2[%arg0, %dma_wait3A_70] : memref<2x2048xi32, #tpu.memory_space<hbm>> -> memref<1x2048xi32, #tpu.memory_space<hbm>>
      %dma_wait3A_72 = tpu.memref_squeeze %dma_wait3A_71 : memref<1x2048xi32, #tpu.memory_space<hbm>> -> memref<2048xi32, #tpu.memory_space<hbm>>
      %dma_wait3A_73 = arith.constant 0 : i32
      %dma_wait3A_74 = tpu.memref_slice %arg2[%arg0, %dma_wait3A_73] : memref<2x2048xi32, #tpu.memory_space<hbm>> -> memref<1x2048xi32, #tpu.memory_space<hbm>>
      %dma_wait3A_75 = tpu.memref_squeeze %dma_wait3A_74 : memref<1x2048xi32, #tpu.memory_space<hbm>> -> memref<2048xi32, #tpu.memory_space<hbm>>
      tpu.wait_dma2 semaphore(%run_scoped3A : memref<!tpu.dma_semaphore, #tpu.memory_space<semaphore_mem>>) src(%dma_wait3A_75 : memref<2048xi32, #tpu.memory_space<hbm>>) dst(%arg10 : memref<2048xi32, #tpu.memory_space<vmem>>)
      tpu.yield
    }) : () -> ()
    "tpu.region"() ({
      %run_scoped3A = tpu.sem_alloc : memref<!tpu.dma_semaphore, #tpu.memory_space<semaphore_mem>>
      tpu.enqueue_dma source(%arg3 : memref<10240xi32, #tpu.memory_space<hbm>>) target(%arg11 : memref<10240xi32, #tpu.memory_space<vmem>>) target_semaphore(%run_scoped3A : memref<!tpu.dma_semaphore, #tpu.memory_space<semaphore_mem>>)
      tpu.wait_dma2 semaphore(%run_scoped3A : memref<!tpu.dma_semaphore, #tpu.memory_space<semaphore_mem>>) src(%arg3 : memref<10240xi32, #tpu.memory_space<hbm>>) dst(%arg11 : memref<10240xi32, #tpu.memory_space<vmem>>)
      tpu.yield
    }) : () -> ()
    "tpu.region"() ({
      %run_scoped3A = tpu.sem_alloc : memref<!tpu.dma_semaphore, #tpu.memory_space<semaphore_mem>>
      tpu.enqueue_dma source(%arg7 : memref<16xf32, #tpu.memory_space<hbm>>) target(%arg16 : memref<16xf32, #tpu.memory_space<vmem>>) target_semaphore(%run_scoped3A : memref<!tpu.dma_semaphore, #tpu.memory_space<semaphore_mem>>)
      tpu.wait_dma2 semaphore(%run_scoped3A : memref<!tpu.dma_semaphore, #tpu.memory_space<semaphore_mem>>) src(%arg7 : memref<16xf32, #tpu.memory_space<hbm>>) dst(%arg16 : memref<16xf32, #tpu.memory_space<vmem>>)
      tpu.yield
    }) : () -> ()
    %barrier3A = arith.constant 0 : index
    tpu.barrier barrier_id(%barrier3A)
    %iota3A = tpu.iota {dimensions = array<i32: 0>} : vector<16xi32>
    %get3A = arith.constant 1664 : index
    %get3A_1 = tpu.vector_load %arg10[%get3A] {strides = array<i32>} : memref<2048xi32, #tpu.memory_space<vmem>>, vector<16xi32>,
    %bitcast3A = vector.bitcast %get3A_1 : vector<16xi32> to vector<32xbf16>
    %get3A_2 = arith.constant 1680 : index
    %get3A_3 = tpu.vector_load %arg10[%get3A_2] {strides = array<i32>} : memref<2048xi32, #tpu.memory_space<vmem>>, vector<16xi32>,
    %bitcast3A_4 = vector.bitcast %get3A_3 : vector<16xi32> to vector<32xbf16>
    %get3A_5 = arith.constant 1696 : index
    %get3A_6 = tpu.vector_load %arg10[%get3A_5] {strides = array<i32>} : memref<2048xi32, #tpu.memory_space<vmem>>, vector<16xi32>,
    %bitcast3A_7 = vector.bitcast %get3A_6 : vector<16xi32> to vector<32xbf16>
    %get3A_8 = arith.constant 1712 : index
    %get3A_9 = tpu.vector_load %arg10[%get3A_8] {strides = array<i32>} : memref<2048xi32, #tpu.memory_space<vmem>>, vector<16xi32>,
    %bitcast3A_10 = vector.bitcast %get3A_9 : vector<16xi32> to vector<32xbf16>
    %get3A_11 = arith.constant 1728 : index
    %get3A_12 = tpu.vector_load %arg10[%get3A_11] {strides = array<i32>} : memref<2048xi32, #tpu.memory_space<vmem>>, vector<16xi32>,
    %bitcast3A_13 = vector.bitcast %get3A_12 : vector<16xi32> to vector<32xbf16>
    %get3A_14 = arith.constant 1744 : index
    %get3A_15 = tpu.vector_load %arg10[%get3A_14] {strides = array<i32>} : memref<2048xi32, #tpu.memory_space<vmem>>, vector<16xi32>,
    %bitcast3A_16 = vector.bitcast %get3A_15 : vector<16xi32> to vector<32xbf16>
    %get3A_17 = arith.constant 1760 : index
    %get3A_18 = tpu.vector_load %arg10[%get3A_17] {strides = array<i32>} : memref<2048xi32, #tpu.memory_space<vmem>>, vector<16xi32>,
    %bitcast3A_19 = vector.bitcast %get3A_18 : vector<16xi32> to vector<32xbf16>
    %get3A_20 = arith.constant 1776 : index
    %get3A_21 = tpu.vector_load %arg10[%get3A_20] {strides = array<i32>} : memref<2048xi32, #tpu.memory_space<vmem>>, vector<16xi32>,
    %bitcast3A_22 = vector.bitcast %get3A_21 : vector<16xi32> to vector<32xbf16>
    %get3A_23 = arith.constant 1792 : index
    %get3A_24 = tpu.vector_load %arg10[%get3A_23] {strides = array<i32>} : memref<2048xi32, #tpu.memory_space<vmem>>, vector<16xi32>,
    %bitcast3A_25 = vector.bitcast %get3A_24 : vector<16xi32> to vector<32xbf16>
    %get3A_26 = arith.constant 1808 : index
    %get3A_27 = tpu.vector_load %arg10[%get3A_26] {strides = array<i32>} : memref<2048xi32, #tpu.memory_space<vmem>>, vector<16xi32>,
    %bitcast3A_28 = vector.bitcast %get3A_27 : vector<16xi32> to vector<32xbf16>
    %get3A_29 = arith.constant 1824 : index
    %get3A_30 = tpu.vector_load %arg10[%get3A_29] {strides = array<i32>} : memref<2048xi32, #tpu.memory_space<vmem>>, vector<16xi32>,
    %bitcast3A_31 = vector.bitcast %get3A_30 : vector<16xi32> to vector<32xbf16>
    %get3A_32 = arith.constant 1840 : index
    %get3A_33 = tpu.vector_load %arg10[%get3A_32] {strides = array<i32>} : memref<2048xi32, #tpu.memory_space<vmem>>, vector<16xi32>,
    %bitcast3A_34 = vector.bitcast %get3A_33 : vector<16xi32> to vector<32xbf16>
    %get3A_35 = arith.constant 0 : index
    %get3A_36 = tpu.vector_load %arg16[%get3A_35] {strides = array<i32>} : memref<16xf32, #tpu.memory_space<vmem>>, vector<16xf32>,
    %parallel_loop3A = arith.constant 0 : i32
    %parallel_loop3A_37 = arith.constant 64 : i32
    %parallel_loop3A_38 = arith.constant 1 : i32
    scf.for %parallel_loop3A_65 = %parallel_loop3A to %parallel_loop3A_37 step %parallel_loop3A_38  : i32 {
      %parallel_loop3A_66 = arith.index_cast %parallel_loop3A_65 : i32 to index
      %parallel_loop3A_67 = arith.constant 128 : index
      %parallel_loop3A_68 = tpu.vector_load %arg17[%parallel_loop3A_66, %parallel_loop3A_67] {strides = array<i32>} : memref<64x144xf32, #tpu.memory_space<vmem>>, vector<16xf32>,
      tpu.vector_store %arg17[%parallel_loop3A_66, %parallel_loop3A_67], %get3A_36 {strides = array<i32>} : memref<64x144xf32, #tpu.memory_space<vmem>>, vector<16xf32>,
    } {sc.loop_unroll_factor = 1 : i64, sc.parallel_access}
    %parallel_loop3A_39 = arith.constant 0 : i32
    %parallel_loop3A_40 = arith.constant 64 : i32
    %parallel_loop3A_41 = arith.constant 1 : i32
    scf.for %parallel_loop3A_65 = %parallel_loop3A_39 to %parallel_loop3A_40 step %parallel_loop3A_41  : i32 {
      %parallel_loop3A_66 = arith.index_cast %parallel_loop3A_65 : i32 to index
      %parallel_loop3A_67 = arith.constant 128 : index
      %parallel_loop3A_68 = tpu.vector_load %arg18[%parallel_loop3A_66, %parallel_loop3A_67] {strides = array<i32>} : memref<64x144xf32, #tpu.memory_space<vmem>>, vector<16xf32>,
      tpu.vector_store %arg18[%parallel_loop3A_66, %parallel_loop3A_67], %get3A_36 {strides = array<i32>} : memref<64x144xf32, #tpu.memory_space<vmem>>, vector<16xf32>,
    } {sc.loop_unroll_factor = 1 : i64, sc.parallel_access}
    %scan3A = arith.constant 0 : i32
    %scan3A_42 = arith.constant 0 : i32
    %scan3A_43 = arith.constant 20 : i32
    %scan3A_44 = arith.addi %scan3A_42, %scan3A_43 : i32
    %scan3A_45 = arith.constant 1 : i32
    scf.for %scan3A_65 = %scan3A_42 to %scan3A_44 step %scan3A_45  : i32 {
      %gt3A = arith.constant 0 : i32
      %gt3A_66 = arith.cmpi sgt, %scan3A_65, %gt3A : i32
      %convert_element_type3A = arith.extui %gt3A_66 : i1 to i32
      %cond3A = arith.constant 0 : i32
      %cond3A_67 = arith.cmpi ne, %convert_element_type3A, %cond3A : i32
      scf.if %cond3A_67 {
        %dma_wait3A_99 = arith.constant 14 : i32
        %dma_wait3A_100 = arith.constant 0 : i32
        %dma_wait3A_101 = tpu.memref_slice %arg14[%dma_wait3A_99, %dma_wait3A_100] : memref<16x64xi32, #tpu.memory_space<vmem>> -> memref<1x64xi32, #tpu.memory_space<vmem>>
        %dma_wait3A_102 = tpu.memref_squeeze %dma_wait3A_101 : memref<1x64xi32, #tpu.memory_space<vmem>> -> memref<64xi32, #tpu.memory_space<vmem>>
        %dma_wait3A_103 = arith.constant 0 : i32
        %dma_wait3A_104 = arith.constant 0 : i32
        %dma_wait3A_105 = tpu.memref_slice %arg19[%dma_wait3A_103, %dma_wait3A_104] : memref<10240x144xf32, #tpu.memory_space<vmem_shared>> -> memref<10240x144xf32, #tpu.memory_space<vmem_shared>>
        tpu.wait_indirect_dma semaphore(%arg20 : memref<!tpu.dma_semaphore, #tpu.memory_space<semaphore_mem>>) src(%arg17 : memref<64x144xf32, #tpu.memory_space<vmem>>) dst(%dma_wait3A_105 : memref<10240x144xf32, #tpu.memory_space<vmem_shared>>)
        %dma_wait3A_106 = arith.constant 15 : i32
        %dma_wait3A_107 = arith.constant 0 : i32
        %dma_wait3A_108 = tpu.memref_slice %arg14[%dma_wait3A_106, %dma_wait3A_107] : memref<16x64xi32, #tpu.memory_space<vmem>> -> memref<1x64xi32, #tpu.memory_space<vmem>>
        %dma_wait3A_109 = tpu.memref_squeeze %dma_wait3A_108 : memref<1x64xi32, #tpu.memory_space<vmem>> -> memref<64xi32, #tpu.memory_space<vmem>>
        %dma_wait3A_110 = arith.constant 0 : i32
        %dma_wait3A_111 = arith.constant 0 : i32
        %dma_wait3A_112 = tpu.memref_slice %arg19[%dma_wait3A_110, %dma_wait3A_111] : memref<10240x144xf32, #tpu.memory_space<vmem_shared>> -> memref<10240x144xf32, #tpu.memory_space<vmem_shared>>
        tpu.wait_indirect_dma semaphore(%arg21 : memref<!tpu.dma_semaphore, #tpu.memory_space<semaphore_mem>>) src(%arg18 : memref<64x144xf32, #tpu.memory_space<vmem>>) dst(%dma_wait3A_112 : memref<10240x144xf32, #tpu.memory_space<vmem_shared>>)
      } else {
      }
      %mul3A_68 = arith.constant 20480 : i32
      %mul3A_69 = arith.muli %arg1, %mul3A_68 : i32
      %mul3A_70 = arith.constant 1024 : i32
      %mul3A_71 = arith.muli %scan3A_65, %mul3A_70 : i32
      %add3A = arith.addi %mul3A_69, %mul3A_71 : i32
      "tpu.region"() ({
        %run_scoped3A = tpu.sem_alloc : memref<!tpu.dma_semaphore, #tpu.memory_space<semaphore_mem>>
        %dma_start3A = tpu.memref_slice %arg4[%add3A] : memref<327680xi32, #tpu.memory_space<hbm>> -> memref<1024xi32, #tpu.memory_space<hbm>>
        %dma_start3A_99 = tpu.memref_slice %arg4[%add3A] : memref<327680xi32, #tpu.memory_space<hbm>> -> memref<1024xi32, #tpu.memory_space<hbm>>
        tpu.enqueue_dma source(%dma_start3A_99 : memref<1024xi32, #tpu.memory_space<hbm>>) target(%arg12 : memref<1024xi32, #tpu.memory_space<vmem>>) target_semaphore(%run_scoped3A : memref<!tpu.dma_semaphore, #tpu.memory_space<semaphore_mem>>)
        %dma_wait3A_100 = tpu.memref_slice %arg4[%add3A] : memref<327680xi32, #tpu.memory_space<hbm>> -> memref<1024xi32, #tpu.memory_space<hbm>>
        %dma_wait3A_101 = tpu.memref_slice %arg4[%add3A] : memref<327680xi32, #tpu.memory_space<hbm>> -> memref<1024xi32, #tpu.memory_space<hbm>>
        tpu.wait_dma2 semaphore(%run_scoped3A : memref<!tpu.dma_semaphore, #tpu.memory_space<semaphore_mem>>) src(%dma_wait3A_101 : memref<1024xi32, #tpu.memory_space<hbm>>) dst(%arg12 : memref<1024xi32, #tpu.memory_space<vmem>>)
        tpu.yield
      }) : () -> ()
      %jit3A = arith.constant 64 : i32
      %div3A = arith.divsi %add3A, %jit3A : i32
      %sign3A = arith.constant 0 : i32
      %sign3A_72 = arith.cmpi sgt, %add3A, %sign3A : i32
      %sign3A_73 = arith.extui %sign3A_72 : i1 to i32
      %sign3A_74 = arith.constant 0 : i32
      %sign3A_75 = arith.cmpi slt, %add3A, %sign3A_74 : i32
      %sign3A_76 = arith.extui %sign3A_75 : i1 to i32
      %sign3A_77 = arith.subi %sign3A_73, %sign3A_76 : i32
      %sign3A_78 = arith.constant 0 : i32
      %sign3A_79 = arith.cmpi sgt, %jit3A, %sign3A_78 : i32
      %sign3A_80 = arith.extui %sign3A_79 : i1 to i32
      %sign3A_81 = arith.constant 0 : i32
      %sign3A_82 = arith.cmpi slt, %jit3A, %sign3A_81 : i32
      %sign3A_83 = arith.extui %sign3A_82 : i1 to i32
      %sign3A_84 = arith.subi %sign3A_80, %sign3A_83 : i32
      %ne3A = arith.cmpi ne, %sign3A_77, %sign3A_84 : i32
      %rem3A = arith.remsi %add3A, %jit3A : i32
      %ne3A_85 = arith.constant 0 : i32
      %ne3A_86 = arith.cmpi ne, %rem3A, %ne3A_85 : i32
      %and3A = arith.andi %ne3A, %ne3A_86 : i1
      %sub3A = arith.constant 1 : i32
      %sub3A_87 = arith.subi %div3A, %sub3A : i32
      %select_n3A = arith.select %and3A, %sub3A_87, %div3A : i32
      "tpu.region"() ({
        %run_scoped3A = tpu.sem_alloc : memref<!tpu.dma_semaphore, #tpu.memory_space<semaphore_mem>>
        %dma_start3A = arith.constant 0 : i32
        %dma_start3A_99 = tpu.memref_slice %arg5[%select_n3A, %dma_start3A] : memref<5120x64xi32, #tpu.memory_space<hbm>> -> memref<16x64xi32, #tpu.memory_space<hbm>>
        %dma_start3A_100 = arith.constant 0 : i32
        %dma_start3A_101 = tpu.memref_slice %arg5[%select_n3A, %dma_start3A_100] : memref<5120x64xi32, #tpu.memory_space<hbm>> -> memref<16x64xi32, #tpu.memory_space<hbm>>
        tpu.enqueue_dma source(%dma_start3A_101 : memref<16x64xi32, #tpu.memory_space<hbm>>) target(%arg14 : memref<16x64xi32, #tpu.memory_space<vmem>>) target_semaphore(%run_scoped3A : memref<!tpu.dma_semaphore, #tpu.memory_space<semaphore_mem>>)
        %dma_wait3A_102 = arith.constant 0 : i32
        %dma_wait3A_103 = tpu.memref_slice %arg5[%select_n3A, %dma_wait3A_102] : memref<5120x64xi32, #tpu.memory_space<hbm>> -> memref<16x64xi32, #tpu.memory_space<hbm>>
        %dma_wait3A_104 = arith.constant 0 : i32
        %dma_wait3A_105 = tpu.memref_slice %arg5[%select_n3A, %dma_wait3A_104] : memref<5120x64xi32, #tpu.memory_space<hbm>> -> memref<16x64xi32, #tpu.memory_space<hbm>>
        tpu.wait_dma2 semaphore(%run_scoped3A : memref<!tpu.dma_semaphore, #tpu.memory_space<semaphore_mem>>) src(%dma_wait3A_105 : memref<16x64xi32, #tpu.memory_space<hbm>>) dst(%arg14 : memref<16x64xi32, #tpu.memory_space<vmem>>)
        tpu.yield
      }) : () -> ()
      %mul3A_88 = arith.constant 3 : i32
      %mul3A_89 = arith.muli %mul3A_88, %add3A : i32
      "tpu.region"() ({
        %run_scoped3A = tpu.sem_alloc : memref<!tpu.dma_semaphore, #tpu.memory_space<semaphore_mem>>
        %dma_start3A = tpu.memref_slice %arg6[%mul3A_89] : memref<983040xi32, #tpu.memory_space<hbm>> -> memref<3072xi32, #tpu.memory_space<hbm>>
        %dma_start3A_99 = tpu.memref_slice %arg6[%mul3A_89] : memref<983040xi32, #tpu.memory_space<hbm>> -> memref<3072xi32, #tpu.memory_space<hbm>>
        tpu.enqueue_dma source(%dma_start3A_99 : memref<3072xi32, #tpu.memory_space<hbm>>) target(%arg15 : memref<3072xi32, #tpu.memory_space<vmem>>) target_semaphore(%run_scoped3A : memref<!tpu.dma_semaphore, #tpu.memory_space<semaphore_mem>>)
        %dma_wait3A_100 = tpu.memref_slice %arg6[%mul3A_89] : memref<983040xi32, #tpu.memory_space<hbm>> -> memref<3072xi32, #tpu.memory_space<hbm>>
        %dma_wait3A_101 = tpu.memref_slice %arg6[%mul3A_89] : memref<983040xi32, #tpu.memory_space<hbm>> -> memref<3072xi32, #tpu.memory_space<hbm>>
        tpu.wait_dma2 semaphore(%run_scoped3A : memref<!tpu.dma_semaphore, #tpu.memory_space<semaphore_mem>>) src(%dma_wait3A_101 : memref<3072xi32, #tpu.memory_space<hbm>>) dst(%arg15 : memref<3072xi32, #tpu.memory_space<vmem>>)
        tpu.yield
      }) : () -> ()
      %parallel_loop3A_90 = arith.constant 0 : i32
      %parallel_loop3A_91 = arith.constant 64 : i32
      %parallel_loop3A_92 = arith.constant 1 : i32
      scf.for %parallel_loop3A_99 = %parallel_loop3A_90 to %parallel_loop3A_91 step %parallel_loop3A_92  : i32 {
        %parallel_loop3A_100 = arith.constant 16 : i32
        %parallel_loop3A_101 = arith.muli %parallel_loop3A_99, %parallel_loop3A_100 : i32
        %parallel_loop3A_102 = arith.index_cast %parallel_loop3A_101 : i32 to index
        %parallel_loop3A_103 = tpu.vector_load %arg12[%parallel_loop3A_102] {strides = array<i32>} : memref<1024xi32, #tpu.memory_space<vmem>>, vector<16xi32>,
        %parallel_loop3A_104 = tpu.vector_load_idx %arg11[%parallel_loop3A_103] : memref<10240xi32, #tpu.memory_space<vmem>>[vector<16xi32>], vector<16xi32>,
        %parallel_loop3A_105 = arith.constant 16 : i32
        %parallel_loop3A_106 = arith.muli %parallel_loop3A_99, %parallel_loop3A_105 : i32
        %parallel_loop3A_107 = arith.index_cast %parallel_loop3A_106 : i32 to index
        %parallel_loop3A_108 = tpu.vector_load %arg13[%parallel_loop3A_107] {strides = array<i32>} : memref<1024xi32, #tpu.memory_space<vmem>>, vector<16xi32>,
        tpu.vector_store %arg13[%parallel_loop3A_107], %parallel_loop3A_104 {strides = array<i32>} : memref<1024xi32, #tpu.memory_space<vmem>>, vector<16xi32>,
      } {sc.loop_unroll_factor = 1 : i64, sc.parallel_access}
      %scan3A_93 = arith.constant 0 : i32
      %scan3A_94 = arith.constant 0 : i32
      %scan3A_95 = arith.constant 8 : i32
      %scan3A_96 = arith.addi %scan3A_94, %scan3A_95 : i32
      %scan3A_97 = arith.constant 1 : i32
      scf.for %scan3A_99 = %scan3A_94 to %scan3A_96 step %scan3A_97  : i32 {
        %mul3A_100 = arith.constant 2 : i32
        %mul3A_101 = arith.muli %scan3A_99, %mul3A_100 : i32
        %add3A_102 = arith.constant 0 : i32
        %add3A_103 = arith.addi %mul3A_101, %add3A_102 : i32
        %gt3A_104 = arith.constant 0 : i32
        %gt3A_105 = arith.cmpi sgt, %scan3A_99, %gt3A_104 : i32
        %convert_element_type3A_106 = arith.extui %gt3A_105 : i1 to i32
        %cond3A_107 = arith.constant 0 : i32
        %cond3A_108 = arith.cmpi ne, %convert_element_type3A_106, %cond3A_107 : i32
        scf.if %cond3A_108 {
          %dma_wait3A_139 = arith.constant 0 : i32
          %dma_wait3A_140 = tpu.memref_slice %arg14[%add3A_103, %dma_wait3A_139] : memref<16x64xi32, #tpu.memory_space<vmem>> -> memref<1x64xi32, #tpu.memory_space<vmem>>
          %dma_wait3A_141 = tpu.memref_squeeze %dma_wait3A_140 : memref<1x64xi32, #tpu.memory_space<vmem>> -> memref<64xi32, #tpu.memory_space<vmem>>
          %dma_wait3A_142 = arith.constant 0 : i32
          %dma_wait3A_143 = arith.constant 0 : i32
          %dma_wait3A_144 = tpu.memref_slice %arg19[%dma_wait3A_142, %dma_wait3A_143] : memref<10240x144xf32, #tpu.memory_space<vmem_shared>> -> memref<10240x144xf32, #tpu.memory_space<vmem_shared>>
          tpu.wait_indirect_dma semaphore(%arg20 : memref<!tpu.dma_semaphore, #tpu.memory_space<semaphore_mem>>) src(%arg17 : memref<64x144xf32, #tpu.memory_space<vmem>>) dst(%dma_wait3A_144 : memref<10240x144xf32, #tpu.memory_space<vmem_shared>>)
        } else {
        }
        %mul3A_109 = arith.constant 64 : i32
        %mul3A_110 = arith.muli %add3A_103, %mul3A_109 : i32
        %parallel_loop3A_111 = arith.constant 0 : i32
        %parallel_loop3A_112 = arith.constant 64 : i32
        %parallel_loop3A_113 = arith.constant 1 : i32
        scf.for %parallel_loop3A_139 = %parallel_loop3A_111 to %parallel_loop3A_112 step %parallel_loop3A_113  : i32 {
          %parallel_loop3A_140 = arith.addi %mul3A_110, %parallel_loop3A_139 : i32
          %parallel_loop3A_141 = vector.broadcast %parallel_loop3A_140 : i32 to vector<16xi32>
          %parallel_loop3A_142 = tpu.vector_load_idx %arg13[%parallel_loop3A_141] : memref<1024xi32, #tpu.memory_space<vmem>>[vector<16xi32>], vector<16xi32>,
          %parallel_loop3A_143 = tpu.vector_load_idx %arg15[%parallel_loop3A_141] : memref<3072xi32, #tpu.memory_space<vmem>>[vector<16xi32>], vector<16xi32>,
          %parallel_loop3A_144 = vector.bitcast %parallel_loop3A_143 : vector<16xi32> to vector<32xbf16>
          %parallel_loop3A_145 = arith.constant 1024 : i32
          %parallel_loop3A_146 = vector.broadcast %parallel_loop3A_145 : i32 to vector<16xi32>
          %parallel_loop3A_147 = arith.addi %parallel_loop3A_141, %parallel_loop3A_146 : vector<16xi32>
          %parallel_loop3A_148 = tpu.vector_load_idx %arg15[%parallel_loop3A_147] : memref<3072xi32, #tpu.memory_space<vmem>>[vector<16xi32>], vector<16xi32>,
          %parallel_loop3A_149 = vector.bitcast %parallel_loop3A_148 : vector<16xi32> to vector<32xbf16>
          %parallel_loop3A_150 = arith.constant 2048 : i32
          %parallel_loop3A_151 = vector.broadcast %parallel_loop3A_150 : i32 to vector<16xi32>
          %parallel_loop3A_152 = arith.addi %parallel_loop3A_141, %parallel_loop3A_151 : vector<16xi32>
          %parallel_loop3A_153 = tpu.vector_load_idx %arg15[%parallel_loop3A_152] : memref<3072xi32, #tpu.memory_space<vmem>>[vector<16xi32>], vector<16xi32>,
          %parallel_loop3A_154 = vector.bitcast %parallel_loop3A_153 : vector<16xi32> to vector<32xbf16>
          %parallel_loop3A_155 = arith.constant 64 : i32
          %parallel_loop3A_156 = vector.broadcast %parallel_loop3A_155 : i32 to vector<16xi32>
          %parallel_loop3A_157 = arith.muli %parallel_loop3A_142, %parallel_loop3A_156 : vector<16xi32>
          %parallel_loop3A_158 = arith.addi %parallel_loop3A_157, %iota3A : vector<16xi32>
          %parallel_loop3A_159 = arith.constant 0 : i32
          %parallel_loop3A_160 = vector.broadcast %parallel_loop3A_159 : i32 to vector<16xi32>
          %parallel_loop3A_161 = arith.addi %parallel_loop3A_158, %parallel_loop3A_160 : vector<16xi32>
          %parallel_loop3A_162 = tpu.vector_load_idx %arg10[%parallel_loop3A_161] : memref<2048xi32, #tpu.memory_space<vmem>>[vector<16xi32>], vector<16xi32>,
          %parallel_loop3A_163 = vector.bitcast %parallel_loop3A_162 : vector<16xi32> to vector<32xbf16>
          %parallel_loop3A_164 = arith.mulf %parallel_loop3A_144, %bitcast3A : vector<32xbf16>
          %parallel_loop3A_165 = arith.addf %parallel_loop3A_163, %parallel_loop3A_164 : vector<32xbf16>
          %parallel_loop3A_166 = arith.mulf %parallel_loop3A_149, %bitcast3A_13 : vector<32xbf16>
          %parallel_loop3A_167 = arith.addf %parallel_loop3A_165, %parallel_loop3A_166 : vector<32xbf16>
          %parallel_loop3A_168 = arith.mulf %parallel_loop3A_154, %bitcast3A_25 : vector<32xbf16>
          %parallel_loop3A_169 = arith.addf %parallel_loop3A_167, %parallel_loop3A_168 : vector<32xbf16>
          %parallel_loop3A_170 = arith.constant 1.000980e-02 : bf16
          %parallel_loop3A_171 = vector.broadcast %parallel_loop3A_170 : bf16 to vector<32xbf16>
          %parallel_loop3A_172 = arith.mulf %parallel_loop3A_169, %parallel_loop3A_171 : vector<32xbf16>
          %parallel_loop3A_173 = arith.maximumf %parallel_loop3A_169, %parallel_loop3A_172 : vector<32xbf16>
          %parallel_loop3A_174 = tpu.unpack_subelements %parallel_loop3A_173, 0 {pack_format = #tpu.pack_format<interleaved>} : vector<32xbf16> -> vector<16xf32>
          %parallel_loop3A_175 = tpu.unpack_subelements %parallel_loop3A_173, 1 {pack_format = #tpu.pack_format<interleaved>} : vector<32xbf16> -> vector<16xf32>
          %parallel_loop3A_176 = arith.index_cast %parallel_loop3A_139 : i32 to index
          %parallel_loop3A_177 = arith.constant 0 : index
          %parallel_loop3A_178 = tpu.vector_load %arg17[%parallel_loop3A_176, %parallel_loop3A_177] {strides = array<i32>} : memref<64x144xf32, #tpu.memory_space<vmem>>, vector<16xf32>,
          tpu.vector_store %arg17[%parallel_loop3A_176, %parallel_loop3A_177], %parallel_loop3A_174 {strides = array<i32>} : memref<64x144xf32, #tpu.memory_space<vmem>>, vector<16xf32>,
          %parallel_loop3A_179 = arith.index_cast %parallel_loop3A_139 : i32 to index
          %parallel_loop3A_180 = arith.constant 16 : index
          %parallel_loop3A_181 = tpu.vector_load %arg17[%parallel_loop3A_179, %parallel_loop3A_180] {strides = array<i32>} : memref<64x144xf32, #tpu.memory_space<vmem>>, vector<16xf32>,
          tpu.vector_store %arg17[%parallel_loop3A_179, %parallel_loop3A_180], %parallel_loop3A_175 {strides = array<i32>} : memref<64x144xf32, #tpu.memory_space<vmem>>, vector<16xf32>,
          %parallel_loop3A_182 = arith.constant 16 : i32
          %parallel_loop3A_183 = vector.broadcast %parallel_loop3A_182 : i32 to vector<16xi32>
          %parallel_loop3A_184 = arith.addi %parallel_loop3A_158, %parallel_loop3A_183 : vector<16xi32>
          %parallel_loop3A_185 = tpu.vector_load_idx %arg10[%parallel_loop3A_184] : memref<2048xi32, #tpu.memory_space<vmem>>[vector<16xi32>], vector<16xi32>,
          %parallel_loop3A_186 = vector.bitcast %parallel_loop3A_185 : vector<16xi32> to vector<32xbf16>
          %parallel_loop3A_187 = arith.mulf %parallel_loop3A_144, %bitcast3A_4 : vector<32xbf16>
          %parallel_loop3A_188 = arith.addf %parallel_loop3A_186, %parallel_loop3A_187 : vector<32xbf16>
          %parallel_loop3A_189 = arith.mulf %parallel_loop3A_149, %bitcast3A_16 : vector<32xbf16>
          %parallel_loop3A_190 = arith.addf %parallel_loop3A_188, %parallel_loop3A_189 : vector<32xbf16>
          %parallel_loop3A_191 = arith.mulf %parallel_loop3A_154, %bitcast3A_28 : vector<32xbf16>
          %parallel_loop3A_192 = arith.addf %parallel_loop3A_190, %parallel_loop3A_191 : vector<32xbf16>
          %parallel_loop3A_193 = arith.constant 1.000980e-02 : bf16
          %parallel_loop3A_194 = vector.broadcast %parallel_loop3A_193 : bf16 to vector<32xbf16>
          %parallel_loop3A_195 = arith.mulf %parallel_loop3A_192, %parallel_loop3A_194 : vector<32xbf16>
          %parallel_loop3A_196 = arith.maximumf %parallel_loop3A_192, %parallel_loop3A_195 : vector<32xbf16>
          %parallel_loop3A_197 = tpu.unpack_subelements %parallel_loop3A_196, 0 {pack_format = #tpu.pack_format<interleaved>} : vector<32xbf16> -> vector<16xf32>
          %parallel_loop3A_198 = tpu.unpack_subelements %parallel_loop3A_196, 1 {pack_format = #tpu.pack_format<interleaved>} : vector<32xbf16> -> vector<16xf32>
          %parallel_loop3A_199 = arith.index_cast %parallel_loop3A_139 : i32 to index
          %parallel_loop3A_200 = arith.constant 32 : index
          %parallel_loop3A_201 = tpu.vector_load %arg17[%parallel_loop3A_199, %parallel_loop3A_200] {strides = array<i32>} : memref<64x144xf32, #tpu.memory_space<vmem>>, vector<16xf32>,
          tpu.vector_store %arg17[%parallel_loop3A_199, %parallel_loop3A_200], %parallel_loop3A_197 {strides = array<i32>} : memref<64x144xf32, #tpu.memory_space<vmem>>, vector<16xf32>,
          %parallel_loop3A_202 = arith.index_cast %parallel_loop3A_139 : i32 to index
          %parallel_loop3A_203 = arith.constant 48 : index
          %parallel_loop3A_204 = tpu.vector_load %arg17[%parallel_loop3A_202, %parallel_loop3A_203] {strides = array<i32>} : memref<64x144xf32, #tpu.memory_space<vmem>>, vector<16xf32>,
          tpu.vector_store %arg17[%parallel_loop3A_202, %parallel_loop3A_203], %parallel_loop3A_198 {strides = array<i32>} : memref<64x144xf32, #tpu.memory_space<vmem>>, vector<16xf32>,
          %parallel_loop3A_205 = arith.constant 32 : i32
          %parallel_loop3A_206 = vector.broadcast %parallel_loop3A_205 : i32 to vector<16xi32>
          %parallel_loop3A_207 = arith.addi %parallel_loop3A_158, %parallel_loop3A_206 : vector<16xi32>
          %parallel_loop3A_208 = tpu.vector_load_idx %arg10[%parallel_loop3A_207] : memref<2048xi32, #tpu.memory_space<vmem>>[vector<16xi32>], vector<16xi32>,
          %parallel_loop3A_209 = vector.bitcast %parallel_loop3A_208 : vector<16xi32> to vector<32xbf16>
          %parallel_loop3A_210 = arith.mulf %parallel_loop3A_144, %bitcast3A_7 : vector<32xbf16>
          %parallel_loop3A_211 = arith.addf %parallel_loop3A_209, %parallel_loop3A_210 : vector<32xbf16>
          %parallel_loop3A_212 = arith.mulf %parallel_loop3A_149, %bitcast3A_19 : vector<32xbf16>
          %parallel_loop3A_213 = arith.addf %parallel_loop3A_211, %parallel_loop3A_212 : vector<32xbf16>
          %parallel_loop3A_214 = arith.mulf %parallel_loop3A_154, %bitcast3A_31 : vector<32xbf16>
          %parallel_loop3A_215 = arith.addf %parallel_loop3A_213, %parallel_loop3A_214 : vector<32xbf16>
          %parallel_loop3A_216 = arith.constant 1.000980e-02 : bf16
          %parallel_loop3A_217 = vector.broadcast %parallel_loop3A_216 : bf16 to vector<32xbf16>
          %parallel_loop3A_218 = arith.mulf %parallel_loop3A_215, %parallel_loop3A_217 : vector<32xbf16>
          %parallel_loop3A_219 = arith.maximumf %parallel_loop3A_215, %parallel_loop3A_218 : vector<32xbf16>
          %parallel_loop3A_220 = tpu.unpack_subelements %parallel_loop3A_219, 0 {pack_format = #tpu.pack_format<interleaved>} : vector<32xbf16> -> vector<16xf32>
          %parallel_loop3A_221 = tpu.unpack_subelements %parallel_loop3A_219, 1 {pack_format = #tpu.pack_format<interleaved>} : vector<32xbf16> -> vector<16xf32>
          %parallel_loop3A_222 = arith.index_cast %parallel_loop3A_139 : i32 to index
          %parallel_loop3A_223 = arith.constant 64 : index
          %parallel_loop3A_224 = tpu.vector_load %arg17[%parallel_loop3A_222, %parallel_loop3A_223] {strides = array<i32>} : memref<64x144xf32, #tpu.memory_space<vmem>>, vector<16xf32>,
          tpu.vector_store %arg17[%parallel_loop3A_222, %parallel_loop3A_223], %parallel_loop3A_220 {strides = array<i32>} : memref<64x144xf32, #tpu.memory_space<vmem>>, vector<16xf32>,
          %parallel_loop3A_225 = arith.index_cast %parallel_loop3A_139 : i32 to index
          %parallel_loop3A_226 = arith.constant 80 : index
          %parallel_loop3A_227 = tpu.vector_load %arg17[%parallel_loop3A_225, %parallel_loop3A_226] {strides = array<i32>} : memref<64x144xf32, #tpu.memory_space<vmem>>, vector<16xf32>,
          tpu.vector_store %arg17[%parallel_loop3A_225, %parallel_loop3A_226], %parallel_loop3A_221 {strides = array<i32>} : memref<64x144xf32, #tpu.memory_space<vmem>>, vector<16xf32>,
          %parallel_loop3A_228 = arith.constant 48 : i32
          %parallel_loop3A_229 = vector.broadcast %parallel_loop3A_228 : i32 to vector<16xi32>
          %parallel_loop3A_230 = arith.addi %parallel_loop3A_158, %parallel_loop3A_229 : vector<16xi32>
          %parallel_loop3A_231 = tpu.vector_load_idx %arg10[%parallel_loop3A_230] : memref<2048xi32, #tpu.memory_space<vmem>>[vector<16xi32>], vector<16xi32>,
          %parallel_loop3A_232 = vector.bitcast %parallel_loop3A_231 : vector<16xi32> to vector<32xbf16>
          %parallel_loop3A_233 = arith.mulf %parallel_loop3A_144, %bitcast3A_10 : vector<32xbf16>
          %parallel_loop3A_234 = arith.addf %parallel_loop3A_232, %parallel_loop3A_233 : vector<32xbf16>
          %parallel_loop3A_235 = arith.mulf %parallel_loop3A_149, %bitcast3A_22 : vector<32xbf16>
          %parallel_loop3A_236 = arith.addf %parallel_loop3A_234, %parallel_loop3A_235 : vector<32xbf16>
          %parallel_loop3A_237 = arith.mulf %parallel_loop3A_154, %bitcast3A_34 : vector<32xbf16>
          %parallel_loop3A_238 = arith.addf %parallel_loop3A_236, %parallel_loop3A_237 : vector<32xbf16>
          %parallel_loop3A_239 = arith.constant 1.000980e-02 : bf16
          %parallel_loop3A_240 = vector.broadcast %parallel_loop3A_239 : bf16 to vector<32xbf16>
          %parallel_loop3A_241 = arith.mulf %parallel_loop3A_238, %parallel_loop3A_240 : vector<32xbf16>
          %parallel_loop3A_242 = arith.maximumf %parallel_loop3A_238, %parallel_loop3A_241 : vector<32xbf16>
          %parallel_loop3A_243 = tpu.unpack_subelements %parallel_loop3A_242, 0 {pack_format = #tpu.pack_format<interleaved>} : vector<32xbf16> -> vector<16xf32>
          %parallel_loop3A_244 = tpu.unpack_subelements %parallel_loop3A_242, 1 {pack_format = #tpu.pack_format<interleaved>} : vector<32xbf16> -> vector<16xf32>
          %parallel_loop3A_245 = arith.index_cast %parallel_loop3A_139 : i32 to index
          %parallel_loop3A_246 = arith.constant 96 : index
          %parallel_loop3A_247 = tpu.vector_load %arg17[%parallel_loop3A_245, %parallel_loop3A_246] {strides = array<i32>} : memref<64x144xf32, #tpu.memory_space<vmem>>, vector<16xf32>,
          tpu.vector_store %arg17[%parallel_loop3A_245, %parallel_loop3A_246], %parallel_loop3A_243 {strides = array<i32>} : memref<64x144xf32, #tpu.memory_space<vmem>>, vector<16xf32>,
          %parallel_loop3A_248 = arith.index_cast %parallel_loop3A_139 : i32 to index
          %parallel_loop3A_249 = arith.constant 112 : index
          %parallel_loop3A_250 = tpu.vector_load %arg17[%parallel_loop3A_248, %parallel_loop3A_249] {strides = array<i32>} : memref<64x144xf32, #tpu.memory_space<vmem>>, vector<16xf32>,
          tpu.vector_store %arg17[%parallel_loop3A_248, %parallel_loop3A_249], %parallel_loop3A_244 {strides = array<i32>} : memref<64x144xf32, #tpu.memory_space<vmem>>, vector<16xf32>,
        } {sc.loop_unroll_factor = 1 : i64, sc.parallel_access}
        %dma_start3A = arith.constant 0 : i32
        %dma_start3A_114 = tpu.memref_slice %arg14[%add3A_103, %dma_start3A] : memref<16x64xi32, #tpu.memory_space<vmem>> -> memref<1x64xi32, #tpu.memory_space<vmem>>
        %dma_start3A_115 = tpu.memref_squeeze %dma_start3A_114 : memref<1x64xi32, #tpu.memory_space<vmem>> -> memref<64xi32, #tpu.memory_space<vmem>>
        %dma_start3A_116 = arith.constant 0 : i32
        %dma_start3A_117 = arith.constant 0 : i32
        %dma_start3A_118 = tpu.memref_slice %arg19[%dma_start3A_116, %dma_start3A_117] : memref<10240x144xf32, #tpu.memory_space<vmem_shared>> -> memref<10240x144xf32, #tpu.memory_space<vmem_shared>>
        tpu.enqueue_indirect_dma source(%arg17 : memref<64x144xf32, #tpu.memory_space<vmem>>) target(%dma_start3A_118 : memref<10240x144xf32, #tpu.memory_space<vmem_shared>>) offsets(%dma_start3A_115 : memref<64xi32, #tpu.memory_space<vmem>>) semaphore(%arg20 : memref<!tpu.dma_semaphore, #tpu.memory_space<semaphore_mem>>) {add = true}
        %mul3A_119 = arith.constant 2 : i32
        %mul3A_120 = arith.muli %scan3A_99, %mul3A_119 : i32
        %add3A_121 = arith.constant 1 : i32
        %add3A_122 = arith.addi %mul3A_120, %add3A_121 : i32
        %gt3A_123 = arith.constant 0 : i32
        %gt3A_124 = arith.cmpi sgt, %scan3A_99, %gt3A_123 : i32
        %convert_element_type3A_125 = arith.extui %gt3A_124 : i1 to i32
        %cond3A_126 = arith.constant 0 : i32
        %cond3A_127 = arith.cmpi ne, %convert_element_type3A_125, %cond3A_126 : i32
        scf.if %cond3A_127 {
          %dma_wait3A_139 = arith.constant 0 : i32
          %dma_wait3A_140 = tpu.memref_slice %arg14[%add3A_122, %dma_wait3A_139] : memref<16x64xi32, #tpu.memory_space<vmem>> -> memref<1x64xi32, #tpu.memory_space<vmem>>
          %dma_wait3A_141 = tpu.memref_squeeze %dma_wait3A_140 : memref<1x64xi32, #tpu.memory_space<vmem>> -> memref<64xi32, #tpu.memory_space<vmem>>
          %dma_wait3A_142 = arith.constant 0 : i32
          %dma_wait3A_143 = arith.constant 0 : i32
          %dma_wait3A_144 = tpu.memref_slice %arg19[%dma_wait3A_142, %dma_wait3A_143] : memref<10240x144xf32, #tpu.memory_space<vmem_shared>> -> memref<10240x144xf32, #tpu.memory_space<vmem_shared>>
          tpu.wait_indirect_dma semaphore(%arg21 : memref<!tpu.dma_semaphore, #tpu.memory_space<semaphore_mem>>) src(%arg18 : memref<64x144xf32, #tpu.memory_space<vmem>>) dst(%dma_wait3A_144 : memref<10240x144xf32, #tpu.memory_space<vmem_shared>>)
        } else {
        }
        %mul3A_128 = arith.constant 64 : i32
        %mul3A_129 = arith.muli %add3A_122, %mul3A_128 : i32
        %parallel_loop3A_130 = arith.constant 0 : i32
        %parallel_loop3A_131 = arith.constant 64 : i32
        %parallel_loop3A_132 = arith.constant 1 : i32
        scf.for %parallel_loop3A_139 = %parallel_loop3A_130 to %parallel_loop3A_131 step %parallel_loop3A_132  : i32 {
          %parallel_loop3A_140 = arith.addi %mul3A_129, %parallel_loop3A_139 : i32
          %parallel_loop3A_141 = vector.broadcast %parallel_loop3A_140 : i32 to vector<16xi32>
          %parallel_loop3A_142 = tpu.vector_load_idx %arg13[%parallel_loop3A_141] : memref<1024xi32, #tpu.memory_space<vmem>>[vector<16xi32>], vector<16xi32>,
          %parallel_loop3A_143 = tpu.vector_load_idx %arg15[%parallel_loop3A_141] : memref<3072xi32, #tpu.memory_space<vmem>>[vector<16xi32>], vector<16xi32>,
          %parallel_loop3A_144 = vector.bitcast %parallel_loop3A_143 : vector<16xi32> to vector<32xbf16>
          %parallel_loop3A_145 = arith.constant 1024 : i32
          %parallel_loop3A_146 = vector.broadcast %parallel_loop3A_145 : i32 to vector<16xi32>
          %parallel_loop3A_147 = arith.addi %parallel_loop3A_141, %parallel_loop3A_146 : vector<16xi32>
          %parallel_loop3A_148 = tpu.vector_load_idx %arg15[%parallel_loop3A_147] : memref<3072xi32, #tpu.memory_space<vmem>>[vector<16xi32>], vector<16xi32>,
          %parallel_loop3A_149 = vector.bitcast %parallel_loop3A_148 : vector<16xi32> to vector<32xbf16>
          %parallel_loop3A_150 = arith.constant 2048 : i32
          %parallel_loop3A_151 = vector.broadcast %parallel_loop3A_150 : i32 to vector<16xi32>
          %parallel_loop3A_152 = arith.addi %parallel_loop3A_141, %parallel_loop3A_151 : vector<16xi32>
          %parallel_loop3A_153 = tpu.vector_load_idx %arg15[%parallel_loop3A_152] : memref<3072xi32, #tpu.memory_space<vmem>>[vector<16xi32>], vector<16xi32>,
          %parallel_loop3A_154 = vector.bitcast %parallel_loop3A_153 : vector<16xi32> to vector<32xbf16>
          %parallel_loop3A_155 = arith.constant 64 : i32
          %parallel_loop3A_156 = vector.broadcast %parallel_loop3A_155 : i32 to vector<16xi32>
          %parallel_loop3A_157 = arith.muli %parallel_loop3A_142, %parallel_loop3A_156 : vector<16xi32>
          %parallel_loop3A_158 = arith.addi %parallel_loop3A_157, %iota3A : vector<16xi32>
          %parallel_loop3A_159 = arith.constant 0 : i32
          %parallel_loop3A_160 = vector.broadcast %parallel_loop3A_159 : i32 to vector<16xi32>
          %parallel_loop3A_161 = arith.addi %parallel_loop3A_158, %parallel_loop3A_160 : vector<16xi32>
          %parallel_loop3A_162 = tpu.vector_load_idx %arg10[%parallel_loop3A_161] : memref<2048xi32, #tpu.memory_space<vmem>>[vector<16xi32>], vector<16xi32>,
          %parallel_loop3A_163 = vector.bitcast %parallel_loop3A_162 : vector<16xi32> to vector<32xbf16>
          %parallel_loop3A_164 = arith.mulf %parallel_loop3A_144, %bitcast3A : vector<32xbf16>
          %parallel_loop3A_165 = arith.addf %parallel_loop3A_163, %parallel_loop3A_164 : vector<32xbf16>
          %parallel_loop3A_166 = arith.mulf %parallel_loop3A_149, %bitcast3A_13 : vector<32xbf16>
          %parallel_loop3A_167 = arith.addf %parallel_loop3A_165, %parallel_loop3A_166 : vector<32xbf16>
          %parallel_loop3A_168 = arith.mulf %parallel_loop3A_154, %bitcast3A_25 : vector<32xbf16>
          %parallel_loop3A_169 = arith.addf %parallel_loop3A_167, %parallel_loop3A_168 : vector<32xbf16>
          %parallel_loop3A_170 = arith.constant 1.000980e-02 : bf16
          %parallel_loop3A_171 = vector.broadcast %parallel_loop3A_170 : bf16 to vector<32xbf16>
          %parallel_loop3A_172 = arith.mulf %parallel_loop3A_169, %parallel_loop3A_171 : vector<32xbf16>
          %parallel_loop3A_173 = arith.maximumf %parallel_loop3A_169, %parallel_loop3A_172 : vector<32xbf16>
          %parallel_loop3A_174 = tpu.unpack_subelements %parallel_loop3A_173, 0 {pack_format = #tpu.pack_format<interleaved>} : vector<32xbf16> -> vector<16xf32>
          %parallel_loop3A_175 = tpu.unpack_subelements %parallel_loop3A_173, 1 {pack_format = #tpu.pack_format<interleaved>} : vector<32xbf16> -> vector<16xf32>
          %parallel_loop3A_176 = arith.index_cast %parallel_loop3A_139 : i32 to index
          %parallel_loop3A_177 = arith.constant 0 : index
          %parallel_loop3A_178 = tpu.vector_load %arg18[%parallel_loop3A_176, %parallel_loop3A_177] {strides = array<i32>} : memref<64x144xf32, #tpu.memory_space<vmem>>, vector<16xf32>,
          tpu.vector_store %arg18[%parallel_loop3A_176, %parallel_loop3A_177], %parallel_loop3A_174 {strides = array<i32>} : memref<64x144xf32, #tpu.memory_space<vmem>>, vector<16xf32>,
          %parallel_loop3A_179 = arith.index_cast %parallel_loop3A_139 : i32 to index
          %parallel_loop3A_180 = arith.constant 16 : index
          %parallel_loop3A_181 = tpu.vector_load %arg18[%parallel_loop3A_179, %parallel_loop3A_180] {strides = array<i32>} : memref<64x144xf32, #tpu.memory_space<vmem>>, vector<16xf32>,
          tpu.vector_store %arg18[%parallel_loop3A_179, %parallel_loop3A_180], %parallel_loop3A_175 {strides = array<i32>} : memref<64x144xf32, #tpu.memory_space<vmem>>, vector<16xf32>,
          %parallel_loop3A_182 = arith.constant 16 : i32
          %parallel_loop3A_183 = vector.broadcast %parallel_loop3A_182 : i32 to vector<16xi32>
          %parallel_loop3A_184 = arith.addi %parallel_loop3A_158, %parallel_loop3A_183 : vector<16xi32>
          %parallel_loop3A_185 = tpu.vector_load_idx %arg10[%parallel_loop3A_184] : memref<2048xi32, #tpu.memory_space<vmem>>[vector<16xi32>], vector<16xi32>,
          %parallel_loop3A_186 = vector.bitcast %parallel_loop3A_185 : vector<16xi32> to vector<32xbf16>
          %parallel_loop3A_187 = arith.mulf %parallel_loop3A_144, %bitcast3A_4 : vector<32xbf16>
          %parallel_loop3A_188 = arith.addf %parallel_loop3A_186, %parallel_loop3A_187 : vector<32xbf16>
          %parallel_loop3A_189 = arith.mulf %parallel_loop3A_149, %bitcast3A_16 : vector<32xbf16>
          %parallel_loop3A_190 = arith.addf %parallel_loop3A_188, %parallel_loop3A_189 : vector<32xbf16>
          %parallel_loop3A_191 = arith.mulf %parallel_loop3A_154, %bitcast3A_28 : vector<32xbf16>
          %parallel_loop3A_192 = arith.addf %parallel_loop3A_190, %parallel_loop3A_191 : vector<32xbf16>
          %parallel_loop3A_193 = arith.constant 1.000980e-02 : bf16
          %parallel_loop3A_194 = vector.broadcast %parallel_loop3A_193 : bf16 to vector<32xbf16>
          %parallel_loop3A_195 = arith.mulf %parallel_loop3A_192, %parallel_loop3A_194 : vector<32xbf16>
          %parallel_loop3A_196 = arith.maximumf %parallel_loop3A_192, %parallel_loop3A_195 : vector<32xbf16>
          %parallel_loop3A_197 = tpu.unpack_subelements %parallel_loop3A_196, 0 {pack_format = #tpu.pack_format<interleaved>} : vector<32xbf16> -> vector<16xf32>
          %parallel_loop3A_198 = tpu.unpack_subelements %parallel_loop3A_196, 1 {pack_format = #tpu.pack_format<interleaved>} : vector<32xbf16> -> vector<16xf32>
          %parallel_loop3A_199 = arith.index_cast %parallel_loop3A_139 : i32 to index
          %parallel_loop3A_200 = arith.constant 32 : index
          %parallel_loop3A_201 = tpu.vector_load %arg18[%parallel_loop3A_199, %parallel_loop3A_200] {strides = array<i32>} : memref<64x144xf32, #tpu.memory_space<vmem>>, vector<16xf32>,
          tpu.vector_store %arg18[%parallel_loop3A_199, %parallel_loop3A_200], %parallel_loop3A_197 {strides = array<i32>} : memref<64x144xf32, #tpu.memory_space<vmem>>, vector<16xf32>,
          %parallel_loop3A_202 = arith.index_cast %parallel_loop3A_139 : i32 to index
          %parallel_loop3A_203 = arith.constant 48 : index
          %parallel_loop3A_204 = tpu.vector_load %arg18[%parallel_loop3A_202, %parallel_loop3A_203] {strides = array<i32>} : memref<64x144xf32, #tpu.memory_space<vmem>>, vector<16xf32>,
          tpu.vector_store %arg18[%parallel_loop3A_202, %parallel_loop3A_203], %parallel_loop3A_198 {strides = array<i32>} : memref<64x144xf32, #tpu.memory_space<vmem>>, vector<16xf32>,
          %parallel_loop3A_205 = arith.constant 32 : i32
          %parallel_loop3A_206 = vector.broadcast %parallel_loop3A_205 : i32 to vector<16xi32>
          %parallel_loop3A_207 = arith.addi %parallel_loop3A_158, %parallel_loop3A_206 : vector<16xi32>
          %parallel_loop3A_208 = tpu.vector_load_idx %arg10[%parallel_loop3A_207] : memref<2048xi32, #tpu.memory_space<vmem>>[vector<16xi32>], vector<16xi32>,
          %parallel_loop3A_209 = vector.bitcast %parallel_loop3A_208 : vector<16xi32> to vector<32xbf16>
          %parallel_loop3A_210 = arith.mulf %parallel_loop3A_144, %bitcast3A_7 : vector<32xbf16>
          %parallel_loop3A_211 = arith.addf %parallel_loop3A_209, %parallel_loop3A_210 : vector<32xbf16>
          %parallel_loop3A_212 = arith.mulf %parallel_loop3A_149, %bitcast3A_19 : vector<32xbf16>
          %parallel_loop3A_213 = arith.addf %parallel_loop3A_211, %parallel_loop3A_212 : vector<32xbf16>
          %parallel_loop3A_214 = arith.mulf %parallel_loop3A_154, %bitcast3A_31 : vector<32xbf16>
          %parallel_loop3A_215 = arith.addf %parallel_loop3A_213, %parallel_loop3A_214 : vector<32xbf16>
          %parallel_loop3A_216 = arith.constant 1.000980e-02 : bf16
          %parallel_loop3A_217 = vector.broadcast %parallel_loop3A_216 : bf16 to vector<32xbf16>
          %parallel_loop3A_218 = arith.mulf %parallel_loop3A_215, %parallel_loop3A_217 : vector<32xbf16>
          %parallel_loop3A_219 = arith.maximumf %parallel_loop3A_215, %parallel_loop3A_218 : vector<32xbf16>
          %parallel_loop3A_220 = tpu.unpack_subelements %parallel_loop3A_219, 0 {pack_format = #tpu.pack_format<interleaved>} : vector<32xbf16> -> vector<16xf32>
          %parallel_loop3A_221 = tpu.unpack_subelements %parallel_loop3A_219, 1 {pack_format = #tpu.pack_format<interleaved>} : vector<32xbf16> -> vector<16xf32>
          %parallel_loop3A_222 = arith.index_cast %parallel_loop3A_139 : i32 to index
          %parallel_loop3A_223 = arith.constant 64 : index
          %parallel_loop3A_224 = tpu.vector_load %arg18[%parallel_loop3A_222, %parallel_loop3A_223] {strides = array<i32>} : memref<64x144xf32, #tpu.memory_space<vmem>>, vector<16xf32>,
          tpu.vector_store %arg18[%parallel_loop3A_222, %parallel_loop3A_223], %parallel_loop3A_220 {strides = array<i32>} : memref<64x144xf32, #tpu.memory_space<vmem>>, vector<16xf32>,
          %parallel_loop3A_225 = arith.index_cast %parallel_loop3A_139 : i32 to index
          %parallel_loop3A_226 = arith.constant 80 : index
          %parallel_loop3A_227 = tpu.vector_load %arg18[%parallel_loop3A_225, %parallel_loop3A_226] {strides = array<i32>} : memref<64x144xf32, #tpu.memory_space<vmem>>, vector<16xf32>,
          tpu.vector_store %arg18[%parallel_loop3A_225, %parallel_loop3A_226], %parallel_loop3A_221 {strides = array<i32>} : memref<64x144xf32, #tpu.memory_space<vmem>>, vector<16xf32>,
          %parallel_loop3A_228 = arith.constant 48 : i32
          %parallel_loop3A_229 = vector.broadcast %parallel_loop3A_228 : i32 to vector<16xi32>
          %parallel_loop3A_230 = arith.addi %parallel_loop3A_158, %parallel_loop3A_229 : vector<16xi32>
          %parallel_loop3A_231 = tpu.vector_load_idx %arg10[%parallel_loop3A_230] : memref<2048xi32, #tpu.memory_space<vmem>>[vector<16xi32>], vector<16xi32>,
          %parallel_loop3A_232 = vector.bitcast %parallel_loop3A_231 : vector<16xi32> to vector<32xbf16>
          %parallel_loop3A_233 = arith.mulf %parallel_loop3A_144, %bitcast3A_10 : vector<32xbf16>
          %parallel_loop3A_234 = arith.addf %parallel_loop3A_232, %parallel_loop3A_233 : vector<32xbf16>
          %parallel_loop3A_235 = arith.mulf %parallel_loop3A_149, %bitcast3A_22 : vector<32xbf16>
          %parallel_loop3A_236 = arith.addf %parallel_loop3A_234, %parallel_loop3A_235 : vector<32xbf16>
          %parallel_loop3A_237 = arith.mulf %parallel_loop3A_154, %bitcast3A_34 : vector<32xbf16>
          %parallel_loop3A_238 = arith.addf %parallel_loop3A_236, %parallel_loop3A_237 : vector<32xbf16>
          %parallel_loop3A_239 = arith.constant 1.000980e-02 : bf16
          %parallel_loop3A_240 = vector.broadcast %parallel_loop3A_239 : bf16 to vector<32xbf16>
          %parallel_loop3A_241 = arith.mulf %parallel_loop3A_238, %parallel_loop3A_240 : vector<32xbf16>
          %parallel_loop3A_242 = arith.maximumf %parallel_loop3A_238, %parallel_loop3A_241 : vector<32xbf16>
          %parallel_loop3A_243 = tpu.unpack_subelements %parallel_loop3A_242, 0 {pack_format = #tpu.pack_format<interleaved>} : vector<32xbf16> -> vector<16xf32>
          %parallel_loop3A_244 = tpu.unpack_subelements %parallel_loop3A_242, 1 {pack_format = #tpu.pack_format<interleaved>} : vector<32xbf16> -> vector<16xf32>
          %parallel_loop3A_245 = arith.index_cast %parallel_loop3A_139 : i32 to index
          %parallel_loop3A_246 = arith.constant 96 : index
          %parallel_loop3A_247 = tpu.vector_load %arg18[%parallel_loop3A_245, %parallel_loop3A_246] {strides = array<i32>} : memref<64x144xf32, #tpu.memory_space<vmem>>, vector<16xf32>,
          tpu.vector_store %arg18[%parallel_loop3A_245, %parallel_loop3A_246], %parallel_loop3A_243 {strides = array<i32>} : memref<64x144xf32, #tpu.memory_space<vmem>>, vector<16xf32>,
          %parallel_loop3A_248 = arith.index_cast %parallel_loop3A_139 : i32 to index
          %parallel_loop3A_249 = arith.constant 112 : index
          %parallel_loop3A_250 = tpu.vector_load %arg18[%parallel_loop3A_248, %parallel_loop3A_249] {strides = array<i32>} : memref<64x144xf32, #tpu.memory_space<vmem>>, vector<16xf32>,
          tpu.vector_store %arg18[%parallel_loop3A_248, %parallel_loop3A_249], %parallel_loop3A_244 {strides = array<i32>} : memref<64x144xf32, #tpu.memory_space<vmem>>, vector<16xf32>,
        } {sc.loop_unroll_factor = 1 : i64, sc.parallel_access}
        %dma_start3A_133 = arith.constant 0 : i32
        %dma_start3A_134 = tpu.memref_slice %arg14[%add3A_122, %dma_start3A_133] : memref<16x64xi32, #tpu.memory_space<vmem>> -> memref<1x64xi32, #tpu.memory_space<vmem>>
        %dma_start3A_135 = tpu.memref_squeeze %dma_start3A_134 : memref<1x64xi32, #tpu.memory_space<vmem>> -> memref<64xi32, #tpu.memory_space<vmem>>
        %dma_start3A_136 = arith.constant 0 : i32
        %dma_start3A_137 = arith.constant 0 : i32
        %dma_start3A_138 = tpu.memref_slice %arg19[%dma_start3A_136, %dma_start3A_137] : memref<10240x144xf32, #tpu.memory_space<vmem_shared>> -> memref<10240x144xf32, #tpu.memory_space<vmem_shared>>
        tpu.enqueue_indirect_dma source(%arg18 : memref<64x144xf32, #tpu.memory_space<vmem>>) target(%dma_start3A_138 : memref<10240x144xf32, #tpu.memory_space<vmem_shared>>) offsets(%dma_start3A_135 : memref<64xi32, #tpu.memory_space<vmem>>) semaphore(%arg21 : memref<!tpu.dma_semaphore, #tpu.memory_space<semaphore_mem>>) {add = true}
      }
      %scan3A_98 = arith.constant 8 : i32
    }
    %scan3A_46 = arith.constant 20 : i32
    %dma_wait3A = arith.constant 14 : i32
    %dma_wait3A_47 = arith.constant 0 : i32
    %dma_wait3A_48 = tpu.memref_slice %arg14[%dma_wait3A, %dma_wait3A_47] : memref<16x64xi32, #tpu.memory_space<vmem>> -> memref<1x64xi32, #tpu.memory_space<vmem>>
    %dma_wait3A_49 = tpu.memref_squeeze %dma_wait3A_48 : memref<1x64xi32, #tpu.memory_space<vmem>> -> memref<64xi32, #tpu.memory_space<vmem>>
    %dma_wait3A_50 = arith.constant 0 : i32
    %dma_wait3A_51 = arith.constant 0 : i32
    %dma_wait3A_52 = tpu.memref_slice %arg19[%dma_wait3A_50, %dma_wait3A_51] : memref<10240x144xf32, #tpu.memory_space<vmem_shared>> -> memref<10240x144xf32, #tpu.memory_space<vmem_shared>>
    tpu.wait_indirect_dma semaphore(%arg20 : memref<!tpu.dma_semaphore, #tpu.memory_space<semaphore_mem>>) src(%arg17 : memref<64x144xf32, #tpu.memory_space<vmem>>) dst(%dma_wait3A_52 : memref<10240x144xf32, #tpu.memory_space<vmem_shared>>)
    %dma_wait3A_53 = arith.constant 15 : i32
    %dma_wait3A_54 = arith.constant 0 : i32
    %dma_wait3A_55 = tpu.memref_slice %arg14[%dma_wait3A_53, %dma_wait3A_54] : memref<16x64xi32, #tpu.memory_space<vmem>> -> memref<1x64xi32, #tpu.memory_space<vmem>>
    %dma_wait3A_56 = tpu.memref_squeeze %dma_wait3A_55 : memref<1x64xi32, #tpu.memory_space<vmem>> -> memref<64xi32, #tpu.memory_space<vmem>>
    %dma_wait3A_57 = arith.constant 0 : i32
    %dma_wait3A_58 = arith.constant 0 : i32
    %dma_wait3A_59 = tpu.memref_slice %arg19[%dma_wait3A_57, %dma_wait3A_58] : memref<10240x144xf32, #tpu.memory_space<vmem_shared>> -> memref<10240x144xf32, #tpu.memory_space<vmem_shared>>
    tpu.wait_indirect_dma semaphore(%arg21 : memref<!tpu.dma_semaphore, #tpu.memory_space<semaphore_mem>>) src(%arg18 : memref<64x144xf32, #tpu.memory_space<vmem>>) dst(%dma_wait3A_59 : memref<10240x144xf32, #tpu.memory_space<vmem_shared>>)
    %barrier3A_60 = arith.constant 0 : index
    tpu.barrier barrier_id(%barrier3A_60)
    %mul3A_61 = arith.constant 640 : i32
    %mul3A_62 = arith.muli %arg1, %mul3A_61 : i32
    %mul3A_63 = arith.constant 640 : i32
    %mul3A_64 = arith.muli %arg1, %mul3A_63 : i32
    "tpu.region"() ({
      %run_scoped3A = tpu.sem_alloc : memref<!tpu.dma_semaphore, #tpu.memory_space<semaphore_mem>>
      %dma_start3A = arith.constant 0 : i32
      %dma_start3A_65 = tpu.memref_slice %arg9[%arg0, %mul3A_64, %dma_start3A] : memref<2x10240x144xf32, #tpu.memory_space<hbm>> -> memref<1x640x144xf32, #tpu.memory_space<hbm>>
      %dma_start3A_66 = tpu.memref_squeeze %dma_start3A_65 : memref<1x640x144xf32, #tpu.memory_space<hbm>> -> memref<640x144xf32, #tpu.memory_space<hbm>>
      %dma_start3A_67 = arith.constant 0 : i32
      %dma_start3A_68 = tpu.memref_slice %arg19[%mul3A_62, %dma_start3A_67] : memref<10240x144xf32, #tpu.memory_space<vmem_shared>> -> memref<640x144xf32, #tpu.memory_space<vmem_shared>>
      tpu.enqueue_dma source(%dma_start3A_68 : memref<640x144xf32, #tpu.memory_space<vmem_shared>>) target(%dma_start3A_66 : memref<640x144xf32, #tpu.memory_space<hbm>>) target_semaphore(%run_scoped3A : memref<!tpu.dma_semaphore, #tpu.memory_space<semaphore_mem>>)
      %dma_wait3A_69 = arith.constant 0 : i32
      %dma_wait3A_70 = tpu.memref_slice %arg9[%arg0, %mul3A_64, %dma_wait3A_69] : memref<2x10240x144xf32, #tpu.memory_space<hbm>> -> memref<1x640x144xf32, #tpu.memory_space<hbm>>
      %dma_wait3A_71 = tpu.memref_squeeze %dma_wait3A_70 : memref<1x640x144xf32, #tpu.memory_space<hbm>> -> memref<640x144xf32, #tpu.memory_space<hbm>>
      %dma_wait3A_72 = arith.constant 0 : i32
      %dma_wait3A_73 = tpu.memref_slice %arg19[%mul3A_62, %dma_wait3A_72] : memref<10240x144xf32, #tpu.memory_space<vmem_shared>> -> memref<640x144xf32, #tpu.memory_space<vmem_shared>>
      tpu.wait_dma2 semaphore(%run_scoped3A : memref<!tpu.dma_semaphore, #tpu.memory_space<semaphore_mem>>) src(%dma_wait3A_73 : memref<640x144xf32, #tpu.memory_space<vmem_shared>>) dst(%dma_wait3A_71 : memref<640x144xf32, #tpu.memory_space<hbm>>)
      tpu.yield
    }) : () -> ()
    return
  }
}

module attributes {stable_mosaic.version = 14 : i64} {
  func.func @_prep_body(%arg0: memref<32x136xf32, #tpu.memory_space<vmem>>, %arg1: memref<136x128xf32, #tpu.memory_space<vmem>>, %arg2: memref<32x136xf32, #tpu.memory_space<vmem>>, %arg3: memref<136x128xf32, #tpu.memory_space<vmem>>, %arg4: memref<2x32x128xf32, #tpu.memory_space<vmem>>) attributes {dimension_semantics = [], scalar_prefetch = 0 : i64, scratch_operands = 0 : i64, tpu.core_type = #tpu.core_type<tc>} {
    %get3A = arith.constant 0 : index
    %get3A_0 = arith.constant 0 : index
    %get3A_1 = vector.load %arg0[%get3A, %get3A_0] : memref<32x136xf32, #tpu.memory_space<vmem>>, vector<32x136xf32>
    %get3A_2 = arith.constant 0 : index
    %get3A_3 = arith.constant 0 : index
    %get3A_4 = vector.load %arg1[%get3A_2, %get3A_3] : memref<136x128xf32, #tpu.memory_space<vmem>>, vector<136x128xf32>
    %dot_general3A = arith.constant dense<0.000000e+00> : vector<32x128xf32>
    %dot_general3A_5 = tpu.matmul %get3A_1, %get3A_4, %dot_general3A {dimension_numbers = #tpu.dot_dimension_numbers<[1], [0], [0], [1], [0, 0, 1, 1], [], []>, transpose_lhs_hint = false} : vector<32x136xf32>, vector<136x128xf32>, vector<32x128xf32> -> vector<32x128xf32>
    %swap3A = arith.constant 0 : index
    %swap3A_6 = arith.constant 0 : index
    %swap3A_7 = arith.constant 0 : index
    %swap3A_8 = vector.load %arg4[%swap3A, %swap3A_6, %swap3A_7] : memref<2x32x128xf32, #tpu.memory_space<vmem>>, vector<1x32x128xf32>
    %swap3A_9 = vector.shape_cast %swap3A_8 : vector<1x32x128xf32> to vector<32x128xf32>
    %swap3A_10 = vector.shape_cast %dot_general3A_5 : vector<32x128xf32> to vector<1x32x128xf32>
    tpu.vector_store %arg4[%swap3A, %swap3A_6, %swap3A_7], %swap3A_10 {strides = array<i32>} : memref<2x32x128xf32, #tpu.memory_space<vmem>>, vector<1x32x128xf32>,
    %get3A_11 = arith.constant 0 : index
    %get3A_12 = arith.constant 0 : index
    %get3A_13 = vector.load %arg2[%get3A_11, %get3A_12] : memref<32x136xf32, #tpu.memory_space<vmem>>, vector<32x136xf32>
    %get3A_14 = arith.constant 0 : index
    %get3A_15 = arith.constant 0 : index
    %get3A_16 = vector.load %arg3[%get3A_14, %get3A_15] : memref<136x128xf32, #tpu.memory_space<vmem>>, vector<136x128xf32>
    %dot_general3A_17 = arith.constant dense<0.000000e+00> : vector<32x128xf32>
    %dot_general3A_18 = tpu.matmul %get3A_13, %get3A_16, %dot_general3A_17 {dimension_numbers = #tpu.dot_dimension_numbers<[1], [0], [0], [1], [0, 0, 1, 1], [], []>, transpose_lhs_hint = false} : vector<32x136xf32>, vector<136x128xf32>, vector<32x128xf32> -> vector<32x128xf32>
    %swap3A_19 = arith.constant 1 : index
    %swap3A_20 = arith.constant 0 : index
    %swap3A_21 = arith.constant 0 : index
    %swap3A_22 = vector.load %arg4[%swap3A_19, %swap3A_20, %swap3A_21] : memref<2x32x128xf32, #tpu.memory_space<vmem>>, vector<1x32x128xf32>
    %swap3A_23 = vector.shape_cast %swap3A_22 : vector<1x32x128xf32> to vector<32x128xf32>
    %swap3A_24 = vector.shape_cast %dot_general3A_18 : vector<32x128xf32> to vector<1x32x128xf32>
    tpu.vector_store %arg4[%swap3A_19, %swap3A_20, %swap3A_21], %swap3A_24 {strides = array<i32>} : memref<2x32x128xf32, #tpu.memory_space<vmem>>, vector<1x32x128xf32>,
    return
  }
}

module attributes {stable_mosaic.version = 14 : i64} {
  func.func @_node_body(%arg0: i32, %arg1: memref<1x512x144xf32, #tpu.memory_space<vmem>>, %arg2: memref<1x512x144xf32, #tpu.memory_space<vmem>>, %arg3: memref<512x1xi32, #tpu.memory_space<vmem>>, %arg4: memref<32x128xf32, #tpu.memory_space<vmem>>, %arg5: memref<128x128xf32, #tpu.memory_space<vmem>>, %arg6: memref<128x128xf32, #tpu.memory_space<vmem>>, %arg7: memref<1x128xf32, #tpu.memory_space<vmem>>, %arg8: memref<128x128xf32, #tpu.memory_space<vmem>>, %arg9: memref<1x128xf32, #tpu.memory_space<vmem>>, %arg10: memref<128x8xf32, #tpu.memory_space<vmem>>, %arg11: memref<1x8xf32, #tpu.memory_space<vmem>>, %arg12: memref<32x128xf32, #tpu.memory_space<vmem>>, %arg13: memref<128x128xf32, #tpu.memory_space<vmem>>, %arg14: memref<128x128xf32, #tpu.memory_space<vmem>>, %arg15: memref<1x128xf32, #tpu.memory_space<vmem>>, %arg16: memref<128x128xf32, #tpu.memory_space<vmem>>, %arg17: memref<1x128xf32, #tpu.memory_space<vmem>>, %arg18: memref<128x64xf32, #tpu.memory_space<vmem>>, %arg19: memref<1x64xf32, #tpu.memory_space<vmem>>, %arg20: memref<512x64xf32, #tpu.memory_space<vmem>>, %arg21: memref<512x8xf32, #tpu.memory_space<vmem>>) attributes {dimension_semantics = [#tpu.dimension_semantics<arbitrary>], iteration_bounds = array<i64: 20>, scalar_prefetch = 0 : i64, scratch_operands = 0 : i64, tpu.core_type = #tpu.core_type<tc>, window_params = [{transform_indices = @transform_0, window_bounds = array<i64: 1, 512, 144>}, {transform_indices = @transform_1, window_bounds = array<i64: 1, 512, 144>}, {transform_indices = @transform_2, window_bounds = array<i64: 512, 1>}, {pipeline_mode = #tpu.pipeline_mode<synchronous>, transform_indices = @transform_3, window_bounds = array<i64: 32, 128>}, {pipeline_mode = #tpu.pipeline_mode<synchronous>, transform_indices = @transform_4, window_bounds = array<i64: 128, 128>}, {pipeline_mode = #tpu.pipeline_mode<synchronous>, transform_indices = @transform_5, window_bounds = array<i64: 128, 128>}, {pipeline_mode = #tpu.pipeline_mode<synchronous>, transform_indices = @transform_6, window_bounds = array<i64: 1, 128>}, {pipeline_mode = #tpu.pipeline_mode<synchronous>, transform_indices = @transform_7, window_bounds = array<i64: 128, 128>}, {pipeline_mode = #tpu.pipeline_mode<synchronous>, transform_indices = @transform_8, window_bounds = array<i64: 1, 128>}, {pipeline_mode = #tpu.pipeline_mode<synchronous>, transform_indices = @transform_9, window_bounds = array<i64: 128, 8>}, {pipeline_mode = #tpu.pipeline_mode<synchronous>, transform_indices = @transform_10, window_bounds = array<i64: 1, 8>}, {pipeline_mode = #tpu.pipeline_mode<synchronous>, transform_indices = @transform_11, window_bounds = array<i64: 32, 128>}, {pipeline_mode = #tpu.pipeline_mode<synchronous>, transform_indices = @transform_12, window_bounds = array<i64: 128, 128>}, {pipeline_mode = #tpu.pipeline_mode<synchronous>, transform_indices = @transform_13, window_bounds = array<i64: 128, 128>}, {pipeline_mode = #tpu.pipeline_mode<synchronous>, transform_indices = @transform_14, window_bounds = array<i64: 1, 128>}, {pipeline_mode = #tpu.pipeline_mode<synchronous>, transform_indices = @transform_15, window_bounds = array<i64: 128, 128>}, {pipeline_mode = #tpu.pipeline_mode<synchronous>, transform_indices = @transform_16, window_bounds = array<i64: 1, 128>}, {pipeline_mode = #tpu.pipeline_mode<synchronous>, transform_indices = @transform_17, window_bounds = array<i64: 128, 64>}, {pipeline_mode = #tpu.pipeline_mode<synchronous>, transform_indices = @transform_18, window_bounds = array<i64: 1, 64>}, {transform_indices = @transform_19, window_bounds = array<i64: 512, 64>}, {transform_indices = @transform_20, window_bounds = array<i64: 512, 8>}]} {
    %get3A = arith.constant 0 : index
    %get3A_0 = arith.constant 0 : index
    %get3A_1 = vector.load %arg3[%get3A, %get3A_0] : memref<512x1xi32, #tpu.memory_space<vmem>>, vector<512x1xi32>
    %iota3A = tpu.iota {dimensions = array<i32: 1>} : vector<512x32xi32>
    %eq3A = vector.broadcast %get3A_1 : vector<512x1xi32> to vector<512x32xi32>
    %eq3A_2 = arith.cmpi eq, %iota3A, %eq3A : vector<512x32xi32>
    %convert_element_type3A = arith.extui %eq3A_2 : vector<512x32xi1> to vector<512x32xi32>
    %convert_element_type3A_3 = arith.sitofp %convert_element_type3A : vector<512x32xi32> to vector<512x32xf32>
    %get3A_4 = arith.constant 0 : index
    %get3A_5 = arith.constant 0 : index
    %get3A_6 = arith.constant 128 : index
    %get3A_7 = vector.load %arg1[%get3A_4, %get3A_5, %get3A_6] : memref<1x512x144xf32, #tpu.memory_space<vmem>>, vector<1x512x1xf32>
    %get3A_8 = vector.shape_cast %get3A_7 : vector<1x512x1xf32> to vector<512x1xf32>
    %max3A = arith.constant 1.000000e+00 : f32
    %max3A_9 = vector.broadcast %max3A : f32 to vector<512x1xf32>
    %max3A_10 = arith.maximumf %get3A_8, %max3A_9 : vector<512x1xf32>
    %div3A = arith.constant 1.000000e+00 : f32
    %div3A_11 = vector.broadcast %div3A : f32 to vector<512x1xf32>
    %div3A_12 = arith.divf %div3A_11, %max3A_10 : vector<512x1xf32>
    %get3A_13 = arith.constant 0 : index
    %get3A_14 = arith.constant 0 : index
    %get3A_15 = vector.load %arg4[%get3A_13, %get3A_14] : memref<32x128xf32, #tpu.memory_space<vmem>>, vector<32x128xf32>
    %dot_general3A = arith.constant dense<0.000000e+00> : vector<512x128xf32>
    %dot_general3A_16 = tpu.matmul %convert_element_type3A_3, %get3A_15, %dot_general3A {dimension_numbers = #tpu.dot_dimension_numbers<[1], [0], [0], [1], [0, 0, 1, 1], [], []>, transpose_lhs_hint = false} : vector<512x32xf32>, vector<32x128xf32>, vector<512x128xf32> -> vector<512x128xf32>
    %get3A_17 = arith.constant 0 : index
    %get3A_18 = arith.constant 0 : index
    %get3A_19 = arith.constant 0 : index
    %get3A_20 = vector.load %arg1[%get3A_17, %get3A_18, %get3A_19] : memref<1x512x144xf32, #tpu.memory_space<vmem>>, vector<1x512x128xf32>
    %get3A_21 = vector.shape_cast %get3A_20 : vector<1x512x128xf32> to vector<512x128xf32>
    %mul3A = vector.broadcast %div3A_12 : vector<512x1xf32> to vector<512x128xf32>
    %mul3A_22 = arith.mulf %get3A_21, %mul3A : vector<512x128xf32>
    %get3A_23 = arith.constant 0 : index
    %get3A_24 = arith.constant 0 : index
    %get3A_25 = vector.load %arg5[%get3A_23, %get3A_24] : memref<128x128xf32, #tpu.memory_space<vmem>>, vector<128x128xf32>
    %dot_general3A_26 = arith.constant dense<0.000000e+00> : vector<512x128xf32>
    %dot_general3A_27 = tpu.matmul %dot_general3A_16, %get3A_25, %dot_general3A_26 {dimension_numbers = #tpu.dot_dimension_numbers<[1], [0], [0], [1], [0, 0, 1, 1], [], []>, transpose_lhs_hint = false} : vector<512x128xf32>, vector<128x128xf32>, vector<512x128xf32> -> vector<512x128xf32>
    %get3A_28 = arith.constant 0 : index
    %get3A_29 = arith.constant 0 : index
    %get3A_30 = vector.load %arg6[%get3A_28, %get3A_29] : memref<128x128xf32, #tpu.memory_space<vmem>>, vector<128x128xf32>
    %dot_general3A_31 = arith.constant dense<0.000000e+00> : vector<512x128xf32>
    %dot_general3A_32 = tpu.matmul %mul3A_22, %get3A_30, %dot_general3A_31 {dimension_numbers = #tpu.dot_dimension_numbers<[1], [0], [0], [1], [0, 0, 1, 1], [], []>, transpose_lhs_hint = false} : vector<512x128xf32>, vector<128x128xf32>, vector<512x128xf32> -> vector<512x128xf32>
    %add3A = arith.addf %dot_general3A_27, %dot_general3A_32 : vector<512x128xf32>
    %get3A_33 = arith.constant 0 : index
    %get3A_34 = arith.constant 0 : index
    %get3A_35 = vector.load %arg7[%get3A_33, %get3A_34] : memref<1x128xf32, #tpu.memory_space<vmem>>, vector<1x128xf32>
    %add3A_36 = vector.broadcast %get3A_35 : vector<1x128xf32> to vector<512x128xf32>
    %add3A_37 = arith.addf %add3A, %add3A_36 : vector<512x128xf32>
    %max3A_38 = arith.constant 0.000000e+00 : f32
    %max3A_39 = vector.broadcast %max3A_38 : f32 to vector<512x128xf32>
    %max3A_40 = arith.maximumf %add3A_37, %max3A_39 : vector<512x128xf32>
    %get3A_41 = arith.constant 0 : index
    %get3A_42 = arith.constant 0 : index
    %get3A_43 = vector.load %arg8[%get3A_41, %get3A_42] : memref<128x128xf32, #tpu.memory_space<vmem>>, vector<128x128xf32>
    %dot_general3A_44 = arith.constant dense<0.000000e+00> : vector<512x128xf32>
    %dot_general3A_45 = tpu.matmul %max3A_40, %get3A_43, %dot_general3A_44 {dimension_numbers = #tpu.dot_dimension_numbers<[1], [0], [0], [1], [0, 0, 1, 1], [], []>, transpose_lhs_hint = false} : vector<512x128xf32>, vector<128x128xf32>, vector<512x128xf32> -> vector<512x128xf32>
    %get3A_46 = arith.constant 0 : index
    %get3A_47 = arith.constant 0 : index
    %get3A_48 = vector.load %arg9[%get3A_46, %get3A_47] : memref<1x128xf32, #tpu.memory_space<vmem>>, vector<1x128xf32>
    %add3A_49 = vector.broadcast %get3A_48 : vector<1x128xf32> to vector<512x128xf32>
    %add3A_50 = arith.addf %dot_general3A_45, %add3A_49 : vector<512x128xf32>
    %max3A_51 = arith.constant 0.000000e+00 : f32
    %max3A_52 = vector.broadcast %max3A_51 : f32 to vector<512x128xf32>
    %max3A_53 = arith.maximumf %add3A_50, %max3A_52 : vector<512x128xf32>
    %get3A_54 = arith.constant 0 : index
    %get3A_55 = arith.constant 0 : index
    %get3A_56 = vector.load %arg10[%get3A_54, %get3A_55] : memref<128x8xf32, #tpu.memory_space<vmem>>, vector<128x8xf32>
    %dot_general3A_57 = arith.constant dense<0.000000e+00> : vector<512x8xf32>
    %dot_general3A_58 = tpu.matmul %max3A_53, %get3A_56, %dot_general3A_57 {dimension_numbers = #tpu.dot_dimension_numbers<[1], [0], [0], [1], [0, 0, 1, 1], [], []>, transpose_lhs_hint = false} : vector<512x128xf32>, vector<128x8xf32>, vector<512x8xf32> -> vector<512x8xf32>
    %get3A_59 = arith.constant 0 : index
    %get3A_60 = arith.constant 0 : index
    %get3A_61 = vector.load %arg11[%get3A_59, %get3A_60] : memref<1x8xf32, #tpu.memory_space<vmem>>, vector<1x8xf32>
    %add3A_62 = vector.broadcast %get3A_61 : vector<1x8xf32> to vector<512x8xf32>
    %add3A_63 = arith.addf %dot_general3A_58, %add3A_62 : vector<512x8xf32>
    %swap3A = arith.constant 0 : index
    %swap3A_64 = arith.constant 0 : index
    %swap3A_65 = vector.load %arg21[%swap3A, %swap3A_64] : memref<512x8xf32, #tpu.memory_space<vmem>>, vector<512x8xf32>
    tpu.vector_store %arg21[%swap3A, %swap3A_64], %add3A_63 {strides = array<i32>} : memref<512x8xf32, #tpu.memory_space<vmem>>, vector<512x8xf32>,
    %get3A_66 = arith.constant 0 : index
    %get3A_67 = arith.constant 0 : index
    %get3A_68 = vector.load %arg12[%get3A_66, %get3A_67] : memref<32x128xf32, #tpu.memory_space<vmem>>, vector<32x128xf32>
    %dot_general3A_69 = arith.constant dense<0.000000e+00> : vector<512x128xf32>
    %dot_general3A_70 = tpu.matmul %convert_element_type3A_3, %get3A_68, %dot_general3A_69 {dimension_numbers = #tpu.dot_dimension_numbers<[1], [0], [0], [1], [0, 0, 1, 1], [], []>, transpose_lhs_hint = false} : vector<512x32xf32>, vector<32x128xf32>, vector<512x128xf32> -> vector<512x128xf32>
    %get3A_71 = arith.constant 0 : index
    %get3A_72 = arith.constant 0 : index
    %get3A_73 = arith.constant 0 : index
    %get3A_74 = vector.load %arg2[%get3A_71, %get3A_72, %get3A_73] : memref<1x512x144xf32, #tpu.memory_space<vmem>>, vector<1x512x128xf32>
    %get3A_75 = vector.shape_cast %get3A_74 : vector<1x512x128xf32> to vector<512x128xf32>
    %mul3A_76 = vector.broadcast %div3A_12 : vector<512x1xf32> to vector<512x128xf32>
    %mul3A_77 = arith.mulf %get3A_75, %mul3A_76 : vector<512x128xf32>
    %get3A_78 = arith.constant 0 : index
    %get3A_79 = arith.constant 0 : index
    %get3A_80 = vector.load %arg13[%get3A_78, %get3A_79] : memref<128x128xf32, #tpu.memory_space<vmem>>, vector<128x128xf32>
    %dot_general3A_81 = arith.constant dense<0.000000e+00> : vector<512x128xf32>
    %dot_general3A_82 = tpu.matmul %dot_general3A_70, %get3A_80, %dot_general3A_81 {dimension_numbers = #tpu.dot_dimension_numbers<[1], [0], [0], [1], [0, 0, 1, 1], [], []>, transpose_lhs_hint = false} : vector<512x128xf32>, vector<128x128xf32>, vector<512x128xf32> -> vector<512x128xf32>
    %get3A_83 = arith.constant 0 : index
    %get3A_84 = arith.constant 0 : index
    %get3A_85 = vector.load %arg14[%get3A_83, %get3A_84] : memref<128x128xf32, #tpu.memory_space<vmem>>, vector<128x128xf32>
    %dot_general3A_86 = arith.constant dense<0.000000e+00> : vector<512x128xf32>
    %dot_general3A_87 = tpu.matmul %mul3A_77, %get3A_85, %dot_general3A_86 {dimension_numbers = #tpu.dot_dimension_numbers<[1], [0], [0], [1], [0, 0, 1, 1], [], []>, transpose_lhs_hint = false} : vector<512x128xf32>, vector<128x128xf32>, vector<512x128xf32> -> vector<512x128xf32>
    %add3A_88 = arith.addf %dot_general3A_82, %dot_general3A_87 : vector<512x128xf32>
    %get3A_89 = arith.constant 0 : index
    %get3A_90 = arith.constant 0 : index
    %get3A_91 = vector.load %arg15[%get3A_89, %get3A_90] : memref<1x128xf32, #tpu.memory_space<vmem>>, vector<1x128xf32>
    %add3A_92 = vector.broadcast %get3A_91 : vector<1x128xf32> to vector<512x128xf32>
    %add3A_93 = arith.addf %add3A_88, %add3A_92 : vector<512x128xf32>
    %max3A_94 = arith.constant 0.000000e+00 : f32
    %max3A_95 = vector.broadcast %max3A_94 : f32 to vector<512x128xf32>
    %max3A_96 = arith.maximumf %add3A_93, %max3A_95 : vector<512x128xf32>
    %get3A_97 = arith.constant 0 : index
    %get3A_98 = arith.constant 0 : index
    %get3A_99 = vector.load %arg16[%get3A_97, %get3A_98] : memref<128x128xf32, #tpu.memory_space<vmem>>, vector<128x128xf32>
    %dot_general3A_100 = arith.constant dense<0.000000e+00> : vector<512x128xf32>
    %dot_general3A_101 = tpu.matmul %max3A_96, %get3A_99, %dot_general3A_100 {dimension_numbers = #tpu.dot_dimension_numbers<[1], [0], [0], [1], [0, 0, 1, 1], [], []>, transpose_lhs_hint = false} : vector<512x128xf32>, vector<128x128xf32>, vector<512x128xf32> -> vector<512x128xf32>
    %get3A_102 = arith.constant 0 : index
    %get3A_103 = arith.constant 0 : index
    %get3A_104 = vector.load %arg17[%get3A_102, %get3A_103] : memref<1x128xf32, #tpu.memory_space<vmem>>, vector<1x128xf32>
    %add3A_105 = vector.broadcast %get3A_104 : vector<1x128xf32> to vector<512x128xf32>
    %add3A_106 = arith.addf %dot_general3A_101, %add3A_105 : vector<512x128xf32>
    %max3A_107 = arith.constant 0.000000e+00 : f32
    %max3A_108 = vector.broadcast %max3A_107 : f32 to vector<512x128xf32>
    %max3A_109 = arith.maximumf %add3A_106, %max3A_108 : vector<512x128xf32>
    %get3A_110 = arith.constant 0 : index
    %get3A_111 = arith.constant 0 : index
    %get3A_112 = vector.load %arg18[%get3A_110, %get3A_111] : memref<128x64xf32, #tpu.memory_space<vmem>>, vector<128x64xf32>
    %dot_general3A_113 = arith.constant dense<0.000000e+00> : vector<512x64xf32>
    %dot_general3A_114 = tpu.matmul %max3A_109, %get3A_112, %dot_general3A_113 {dimension_numbers = #tpu.dot_dimension_numbers<[1], [0], [0], [1], [0, 0, 1, 1], [], []>, transpose_lhs_hint = false} : vector<512x128xf32>, vector<128x64xf32>, vector<512x64xf32> -> vector<512x64xf32>
    %get3A_115 = arith.constant 0 : index
    %get3A_116 = arith.constant 0 : index
    %get3A_117 = vector.load %arg19[%get3A_115, %get3A_116] : memref<1x64xf32, #tpu.memory_space<vmem>>, vector<1x64xf32>
    %add3A_118 = vector.broadcast %get3A_117 : vector<1x64xf32> to vector<512x64xf32>
    %add3A_119 = arith.addf %dot_general3A_114, %add3A_118 : vector<512x64xf32>
    %swap3A_120 = arith.constant 0 : index
    %swap3A_121 = arith.constant 0 : index
    %swap3A_122 = vector.load %arg20[%swap3A_120, %swap3A_121] : memref<512x64xf32, #tpu.memory_space<vmem>>, vector<512x64xf32>
    tpu.vector_store %arg20[%swap3A_120, %swap3A_121], %add3A_119 {strides = array<i32>} : memref<512x64xf32, #tpu.memory_space<vmem>>, vector<512x64xf32>,
    return
  }
  func.func @transform_0(%arg0: i32) -> (i32, i32, i32) {
    %c0_i32 = arith.constant 0 : i32
    %c0_i32_0 = arith.constant 0 : i32
    %c0_i32_1 = arith.constant 0 : i32
    return %c0_i32, %arg0, %c0_i32_0 : i32, i32, i32
  }
  func.func @transform_1(%arg0: i32) -> (i32, i32, i32) {
    %c1_i32 = arith.constant 1 : i32
    %c0_i32 = arith.constant 0 : i32
    %c0_i32_0 = arith.constant 0 : i32
    return %c1_i32, %arg0, %c0_i32 : i32, i32, i32
  }
  func.func @transform_2(%arg0: i32) -> (i32, i32) {
    %c0_i32 = arith.constant 0 : i32
    %c0_i32_0 = arith.constant 0 : i32
    return %arg0, %c0_i32 : i32, i32
  }
  func.func @transform_3(%arg0: i32) -> (i32, i32) {
    %c0_i32 = arith.constant 0 : i32
    %c0_i32_0 = arith.constant 0 : i32
    %c0_i32_1 = arith.constant 0 : i32
    return %c0_i32, %c0_i32_0 : i32, i32
  }
  func.func @transform_4(%arg0: i32) -> (i32, i32) {
    %c0_i32 = arith.constant 0 : i32
    %c0_i32_0 = arith.constant 0 : i32
    %c0_i32_1 = arith.constant 0 : i32
    return %c0_i32, %c0_i32_0 : i32, i32
  }
  func.func @transform_5(%arg0: i32) -> (i32, i32) {
    %c0_i32 = arith.constant 0 : i32
    %c0_i32_0 = arith.constant 0 : i32
    %c0_i32_1 = arith.constant 0 : i32
    return %c0_i32, %c0_i32_0 : i32, i32
  }
  func.func @transform_6(%arg0: i32) -> (i32, i32) {
    %c0_i32 = arith.constant 0 : i32
    %c0_i32_0 = arith.constant 0 : i32
    %c0_i32_1 = arith.constant 0 : i32
    return %c0_i32, %c0_i32_0 : i32, i32
  }
  func.func @transform_7(%arg0: i32) -> (i32, i32) {
    %c0_i32 = arith.constant 0 : i32
    %c0_i32_0 = arith.constant 0 : i32
    %c0_i32_1 = arith.constant 0 : i32
    return %c0_i32, %c0_i32_0 : i32, i32
  }
  func.func @transform_8(%arg0: i32) -> (i32, i32) {
    %c0_i32 = arith.constant 0 : i32
    %c0_i32_0 = arith.constant 0 : i32
    %c0_i32_1 = arith.constant 0 : i32
    return %c0_i32, %c0_i32_0 : i32, i32
  }
  func.func @transform_9(%arg0: i32) -> (i32, i32) {
    %c0_i32 = arith.constant 0 : i32
    %c0_i32_0 = arith.constant 0 : i32
    %c0_i32_1 = arith.constant 0 : i32
    return %c0_i32, %c0_i32_0 : i32, i32
  }
  func.func @transform_10(%arg0: i32) -> (i32, i32) {
    %c0_i32 = arith.constant 0 : i32
    %c0_i32_0 = arith.constant 0 : i32
    %c0_i32_1 = arith.constant 0 : i32
    return %c0_i32, %c0_i32_0 : i32, i32
  }
  func.func @transform_11(%arg0: i32) -> (i32, i32) {
    %c0_i32 = arith.constant 0 : i32
    %c0_i32_0 = arith.constant 0 : i32
    %c0_i32_1 = arith.constant 0 : i32
    return %c0_i32, %c0_i32_0 : i32, i32
  }
  func.func @transform_12(%arg0: i32) -> (i32, i32) {
    %c0_i32 = arith.constant 0 : i32
    %c0_i32_0 = arith.constant 0 : i32
    %c0_i32_1 = arith.constant 0 : i32
    return %c0_i32, %c0_i32_0 : i32, i32
  }
  func.func @transform_13(%arg0: i32) -> (i32, i32) {
    %c0_i32 = arith.constant 0 : i32
    %c0_i32_0 = arith.constant 0 : i32
    %c0_i32_1 = arith.constant 0 : i32
    return %c0_i32, %c0_i32_0 : i32, i32
  }
  func.func @transform_14(%arg0: i32) -> (i32, i32) {
    %c0_i32 = arith.constant 0 : i32
    %c0_i32_0 = arith.constant 0 : i32
    %c0_i32_1 = arith.constant 0 : i32
    return %c0_i32, %c0_i32_0 : i32, i32
  }
  func.func @transform_15(%arg0: i32) -> (i32, i32) {
    %c0_i32 = arith.constant 0 : i32
    %c0_i32_0 = arith.constant 0 : i32
    %c0_i32_1 = arith.constant 0 : i32
    return %c0_i32, %c0_i32_0 : i32, i32
  }
  func.func @transform_16(%arg0: i32) -> (i32, i32) {
    %c0_i32 = arith.constant 0 : i32
    %c0_i32_0 = arith.constant 0 : i32
    %c0_i32_1 = arith.constant 0 : i32
    return %c0_i32, %c0_i32_0 : i32, i32
  }
  func.func @transform_17(%arg0: i32) -> (i32, i32) {
    %c0_i32 = arith.constant 0 : i32
    %c0_i32_0 = arith.constant 0 : i32
    %c0_i32_1 = arith.constant 0 : i32
    return %c0_i32, %c0_i32_0 : i32, i32
  }
  func.func @transform_18(%arg0: i32) -> (i32, i32) {
    %c0_i32 = arith.constant 0 : i32
    %c0_i32_0 = arith.constant 0 : i32
    %c0_i32_1 = arith.constant 0 : i32
    return %c0_i32, %c0_i32_0 : i32, i32
  }
  func.func @transform_19(%arg0: i32) -> (i32, i32) {
    %c0_i32 = arith.constant 0 : i32
    %c0_i32_0 = arith.constant 0 : i32
    return %arg0, %c0_i32 : i32, i32
  }
  func.func @transform_20(%arg0: i32) -> (i32, i32) {
    %c0_i32 = arith.constant 0 : i32
    %c0_i32_0 = arith.constant 0 : i32
    return %arg0, %c0_i32 : i32, i32
  }
}

</mosaic_0001>

<sc_bundles>
// kernel: kernel.5.cloned.1.call-start
scs
__scs_entry_jumppad:
0x0: {  	(pc) =	sbr.rel $0x88, $3  }
0x1: {  	(tag) =	ssettag $0x0;
	lr =	simm.s32 $0x1  }
0x2: {  	[smem:$0x3F8E] =	sst lr;
	_ =	strace $0xD0000000  }
0x3: {  	_ = 	snop  }
0x4: {  	_ = 	snop  }
0x5: {  	_ = 	snop  }
0x6: {  	_ = 	snop  }
0x7: {  	_ = 	snop  }
__scs_overlays_trampoline_lowered:
0x8: {  	[smem:$0x3F9D] =	sst s0  }
0x9: {  	[smem:$0x3F9E] =	sst s1  }
0xa: {  	[smem:$0x3F9F] =	sst s2  }
0xb: {  	[smem:$0x3FA0] =	sst s3  }
0xc: {  	[smem:$0x3FA1] =	sst s4  }
0xd: {  	[smem:$0x3FA2] =	sst s5  }
0xe: {  	[smem:$0x3FA3] =	sst s6  }
0xf: {  	[smem:$0x3FA4] =	sst s7  }
0x10: {  	[smem:$0x3FA5] =	sst s8  }
0x11: {  	[smem:$0x3FA6] =	sst s9;
	s0 =	simm.s32 @!p0 $0x0  }
0x12: {  	s1 =	sld [smem:$0x3F8C];
	s0 =	simm.s32 @p0 $0x1  }
0x13: {  	[smem:$0x3FA7] =	sst s0;
	s0 =	simm.s32 @!p1 $0x0  }
0x14: {  	s2 =	sld [smem:$0x3F8B];
	s0 =	simm.s32 @p1 $0x1  }
0x15: {  	[smem:$0x3FA8] =	sst s0;
	s0 =	simm.s32 @!p2 $0x0  }
0x16: {  	s3 =	sld [smem:$0x3FDB];
	s0 =	simm.s32 @p2 $0x1  }
0x17: {  	s4 =	simm.s32 $0x1BF5;
	[smem:$0x3FAA] =	sst s0  }
0x18: {  	s0 =	sld [smem:$0x3F8D];
	_ =	swait.ge [sflag:s4], $0x0  }
0x19: {  	s7 =	sld [smem:$0x3F8E]  }
0x1a: {  	s8 =	sadd.s32 $0xFFFFE003, lr  }
0x1b: {  	s9 =	sadd.s32 $0xFFFFFEF7, lr;
	s5 =	simm.s32 $0xFFFFFFFF;
	p2 =	slt.u32 s8, $0xFFFFF086  }
0x1c: {  	p1 =	slt.u32 s9, $0xF7A;
	s5 =	simm.s32 @!p2 $0x0  }
0x1d: {  	s5 =	simm.s32 @p1 $0x1;
	p0 =	seq.s32 s7, s2  }
0x1e: {  	s7 =	smul.u32 @!p0 $0xF7A, s2;
	p2 =	seq.s32 @!p0 s5, $0x0  }
0x1f: {  	s9 =	smul.u32 $0xF7A, s1;
	s8 =	simm.s32 @!p0 $0x1BF5;
	p2 =	por !p2, p0  }
0x20: {  	[sflag:s8] =	ssyncset.s32 @!p0 $0xFFFFF086;
	s6 =	sadd.s32 @!p0 s3, s7;
	s7 =	simm.s32 @!p0 $0x108  }
0x21: {  	s3 =	sadd.s32 s3, s9;
	s6 =	sadd.s32 @!p0 $0x88, s6;
	s7 =	simm.s32 @p2 $0x1082  }
0x22: {  	[simem:s7], [sflag:s8] =	dma.local @!p0 [hbm:s6], $0xF7A  }
0x23: {  	s9 =	sor.u32 $0xD0000000, s2;
	s6 =	simm.s32 $0x108;
	_ =	swait.ge @!p0 [sflag:s8], $0x0  }
0x24: {  	s3 =	sadd.s32 $0x88, s3;
	s6 =	simm.s32 @!p1 $0x1082;
	[sflag:s4] =	ssyncset.s32 $0xFFFFF086  }
0x25: {  	[simem:s6], [sflag:s4] =	dma.local [hbm:s3], $0xF7A  }
0x26: {  	[smem:$0x3F8E] =	sst s1;
	(tag) =	ssettag s2;
	_ =	strace s9  }
0x27: {  	s1 =	sld [smem:$0x3F9E]  }
0x28: {  	s2 =	sld [smem:$0x3F9F]  }
0x29: {  	s4 =	sld [smem:$0x3FA1]  }
0x2a: {  	p0 =	seq.s32 s5, $0x0;
	s5 =	sld [smem:$0x3FA2]  }
0x2b: {  	s6 =	sld [smem:$0x3FA3]  }
0x2c: {  	s7 =	sld [smem:$0x3FA4]  }
0x2d: {  	s3 =	simm.s32 $0x108;
	s8 =	sld [smem:$0x3FA5]  }
0x2e: {  	s3 =	simm.s32 @!p0 $0x1082;
	s9 =	sld [smem:$0x3FA6]  }
0x2f: {  	lr =	sadd.s32 s0, s3;
	s0 =	sld [smem:$0x3F9D]  }
0x30: {  	s3 =	sld [smem:$0x3FA0]  }
0x31: {  	[smem:$0x3FA9] =	sst s10  }
0x32: {  	s10 =	sld [smem:$0x3FA7];
	_ =	sdelay $0x3  }
0x33: {  	p0 =	seq.s32 s10, $0x1;
	s10 =	sld [smem:$0x3FA9];
	_ =	sdelay $0x3  }
0x34: {  	[smem:$0x3FA9] =	sst s10  }
0x35: {  	s10 =	sld [smem:$0x3FA8];
	_ =	sdelay $0x3  }
0x36: {  	p1 =	seq.s32 s10, $0x1;
	s10 =	sld [smem:$0x3FA9];
	_ =	sdelay $0x3  }
0x37: {  	[smem:$0x3FA9] =	sst s10  }
0x38: {  	s10 =	sld [smem:$0x3FAA]  }
0x39: {  	_ = 	snop;
	(pc) =	sbr.ind lr, $3  }
0x3a: {  	_ = 	snop  }
0x3b: {  	_ = 	snop  }
0x3c: {  	p2 =	seq.s32 s10, $0x1;
	s10 =	sld [smem:$0x3FA9]  }
0x3d: {  	_ =	shalt  }
0x3e: {  	_ =	shalt  }
0x3f: {  	_ =	shalt  }
0x40: {  	_ =	shalt  }
0x41: {  	_ =	shalt  }
0x42: {  	_ =	shalt  }
0x43: {  	_ =	shalt  }
0x44: {  	_ =	shalt  }
0x45: {  	_ =	shalt  }
0x46: {  	_ =	shalt  }
0x47: {  	_ =	shalt  }
0x48: {  	_ =	shalt  }
0x49: {  	_ =	shalt  }
0x4a: {  	_ =	shalt  }
0x4b: {  	_ =	shalt  }
0x4c: {  	_ =	shalt  }
0x4d: {  	_ =	shalt  }
0x4e: {  	_ =	shalt  }
0x4f: {  	_ =	shalt  }
0x50: {  	_ =	shalt  }
0x51: {  	_ =	shalt  }
0x52: {  	_ =	shalt  }
0x53: {  	_ =	shalt  }
0x54: {  	_ =	shalt  }
0x55: {  	_ =	shalt  }
0x56: {  	_ =	shalt  }
0x57: {  	_ =	shalt  }
0x58: {  	_ =	shalt  }
0x59: {  	_ =	shalt  }
0x5a: {  	_ =	shalt  }
0x5b: {  	_ =	shalt  }
0x5c: {  	_ =	shalt  }
0x5d: {  	_ =	shalt  }
0x5e: {  	_ =	shalt  }
0x5f: {  	_ =	shalt  }
0x60: {  	_ =	shalt  }
0x61: {  	_ =	shalt  }
0x62: {  	_ =	shalt  }
0x63: {  	_ =	shalt  }
0x64: {  	_ =	shalt  }
0x65: {  	_ =	shalt  }
0x66: {  	_ =	shalt  }
0x67: {  	_ =	shalt  }
0x68: {  	_ =	shalt  }
0x69: {  	_ =	shalt  }
0x6a: {  	_ =	shalt  }
0x6b: {  	_ =	shalt  }
0x6c: {  	_ =	shalt  }
0x6d: {  	_ =	shalt  }
0x6e: {  	_ =	shalt  }
0x6f: {  	_ =	shalt  }
0x70: {  	_ =	shalt  }
0x71: {  	_ =	shalt  }
0x72: {  	_ =	shalt  }
0x73: {  	_ =	shalt  }
0x74: {  	_ =	shalt  }
0x75: {  	_ =	shalt  }
0x76: {  	_ =	shalt  }
0x77: {  	_ =	shalt  }
0x78: {  	_ =	shalt  }
0x79: {  	_ =	shalt  }
0x7a: {  	_ =	shalt  }
0x7b: {  	_ =	shalt  }
0x7c: {  	_ =	shalt  }
0x7d: {  	_ =	shalt  }
0x7e: {  	_ =	shalt  }
0x7f: {  	_ =	shalt  }
0x80: {  	_ =	shalt  }
0x81: {  	_ =	shalt  }
0x82: {  	_ =	shalt  }
0x83: {  	_ =	shalt  }
0x84: {  	_ =	shalt  }
0x85: {  	_ =	shalt  }
0x86: {  	_ =	shalt  }
0x87: {  	_ =	shalt  }
.Lfunc_end0:
.L_simem_size_0:
called_computation_lowered:
.L_overlay_start_0:
0x88: {  	s2 =	sld [smem:$0x3FD9]  }
0x89: {  	s3 =	sld [smem:$0x3FFE];
	_ =	sdelay $0x1  }
0x8a: {  	s1 =	srdreg.scid  }
0x8b: {  	s0 =	sand.u32 $0x1, s1  }
0x8c: {  	s14 =	sshll.u32 s0, $0xA;
	s2 =	sadd.s32 s3, s2  }
0x8d: {  	s2 =	sadd.s32 s2, s14  }
0x8e: {  	[smem:$0x3FB5] =	sst s2  }
0x8f: {  	_ = 	snop  }
0x90: {  	s2 =	sld [smem:$0x3FD0];
	_ =	sdelay $0x2  }
0x91: {  	s15 =	simm.s32 $0xA;
	s4 =	simm.s32 $0x10  }
0x92: {  	[smem:s4], [sflag:s15] =	dma.local [hbm:s2], $0x1  }
0x93: {  	_ =	swait.eq [sflag:s15], $0x1  }
0x94: {  	[sflag:s15] =	ssyncset.done $0x0  }
0x95: {  	s16 =	sld [smem:$0x10];
	[sflag:s15] =	ssyncadd.s32 $0xFFFFFFFF  }
0x96: {  	s17 =	sld [smem:$0x11];
	(tm) =	ssettm $0x1  }
0x97: {  	s18 =	sld [smem:$0x3FFB];
	_ =	sdelay $0x3  }
0x98: {  	_ =	strace s18  }
0x99: {  	s4 =	sld [smem:$0x3FFC];
	_ =	sdelay $0x3  }
0x9a: {  	_ =	strace s4  }
0x9b: {  	s4 =	sld [smem:$0x3FFD];
	_ =	sdelay $0x3  }
0x9c: {  	_ =	strace s4  }
0x9d: {  	_ =	strace $0x8FFFFFFF  }
0x9e: {  	s19 =	sld [smem:$0x3FDB];
	_ =	sdelay $0x1  }
0x9f: {  	s5 =	simm.s32 $_scs_section_size  }
0xa0: {  	s6 =	simm.s32 $_size__tile_overlayer_lowered;
	s7 =	simm.s32 $_tile_overlayer_lowered  }
0xa1: {  	s22 =	simm.s32 $0x1BFF;
	s21 =	sshll.u32 s7, $0x1;
	s4 =	sadd.s32 s5, s19  }
0xa2: {  	s8 =	simm.s32 $0x0;
	s20 =	sshll.u32 s6, $0x1;
	s6 =	sadd.s32 s21, s4  }
0xa3: {  	[timem:s8], [sflag:s22] =	dma.local [hbm:s6], s20  }
0xa4: {  	_ =	swait.ge [sflag:s22], s20  }
0xa5: {  	s5 =	ssub.s32 $0x0, s20;
	[sflag:s22] =	ssyncset.done $0x0  }
0xa6: {  	[sflag:s22] =	ssyncadd.s32 s5;
	_ =	sdelay $0x1  }
0xa7: {  	s23 =	simm.s32 $0x1B8B  }
0xa8: {  	_ =	swait.ge [sflag:s23], $0x1  }
0xa9: {  	[sflag:s23] =	ssyncset.done $0x0  }
0xaa: {  	s25 =	simm.s32 $0x1B8E;
	s24 =	sld [smem:$0x3FFE];
	[sflag:s23] =	ssyncadd.s32 $0xFFFFFFFF  }
0xab: {  	s26 =	simm.s32 $execute0_lowered;
	[smem:$0x3FD2] =	sst s25  }
0xac: {  	s6 =	sshll.u32 s26, $0x1;
	_ =	strace $0x80000046;
	[dreg:$0x1] =	wrdreg $0xFFFFFFFF  }
0xad: {  	s28 =	simm.s32 $_size_execute0_lowered;
	s4 =	sadd.s32 s4, s6;
	[dreg:$0x0] =	wrdreg $0x0  }
0xae: {  	s6 =	sshll.u32 s28, $0x1;
	[dreg:$0x2] =	wrdreg s4  }
0xaf: {  	[dreg:$0x3] =	wrdreg s6  }
0xb0: {  	[dreg:$0x4] =	wrdreg $0xC0  }
0xb1: {  	_ =	task [dreg:s8], $0x5FFFF  }
0xb2: {  	[dreg:$0x1] =	wrdreg $0xFFFFFFFF  }
0xb3: {  	[dreg:$0x0] =	wrdreg $0x60  }
0xb4: {  	[dreg:$0x2] =	wrdreg s17  }
0xb5: {  	[dreg:$0x3] =	wrdreg s24  }
0xb6: {  	[dreg:$0x4] =	wrdreg s16  }
0xb7: {  	[dreg:$0x5] =	wrdreg $0x90100  }
0xb8: {  	[dreg:$0x6] =	wrdreg $0x9  }
0xb9: {  	_ =	task.clear_ibuf [dreg:s8], $0x7FFFF;
	_ =	strace $0x90000046  }
0xba: {  	s29 =	simm.s32 $0x9;
	_ =	strace $0x80000048  }
0xbb: {  	_ =	swait.ge [sflag:s29], $0x1  }
0xbc: {  	[sflag:s29] =	ssyncadd.s32 $0xFFFFFFFF  }
0xbd: {  	_ =	strace $0x90000048  }
0xbe: {  	_ =	sfence  }
0xbf: {  	s30 =	sld [smem:$0x0];
	_ =	sdelay $0x2  }
0xc0: {  	s31 =	sshll.u32 s1, $0xD;
	s1 =	sshrl.u32 s1, $0x2  }
0xc1: {  	s3 =	sand.u32 $0x4000, s31;
	s1 =	sadd.s32 s1, s30  }
0xc2: {  	s0 =	sor.u32 s3, s0;
	s1 =	sshll.u32 s1, $0x11  }
0xc3: {  	s0 =	sor.u32 s1, s0  }
0xc4: {  	s0 =	sadd.s32 $0x8F2B, s0  }
0xc5: {  	[sflag:s0] =	ssyncadd.remote.s32 $0x1  }
0xc6: {  	_ =	sfence.sel $0xFFFF  }
0xc7: {  	[dreg:$0x0] =	wrdreg $0xFFFFFFFF;
	(pc) =	sbr.abs _section_cstart, $3  }
0xc8: {  	[dreg:$0x1] =	wrdreg $0xFFFFFFFF  }
0xc9: {  	_ =	task.clear_ibuf [dreg:s8], $0x2FFFF;
	_ =	strace $0x9FFFFFFF  }
0xca: {  	(tm) =	ssettm $0x7FFFFFFF  }
0xcb: {  	_ =	shalt  }
tec
execute0_lowered:
.L_overlay_start_1:
0x0: {  	(tag) =	ssettag $0x1  }
0x1: {  	s0 =	rddreg [dreg:$0x0]  }
0x2: {  	s2 =	rddreg [dreg:$0x1]  }
0x3: {  	s1 =	rddreg [dreg:$0x2]  }
0x4: {  	s3 =	rddreg [dreg:$0x3]  }
0x5: {  	s4 =	simm.s32 $0x0;
	s5 =	srdreg.scid;
	s12 =	stileid.u32  }
0x6: {  	s16 =	simm.s32 $0x3;
	s17 =	simm.s32 $0x800;
	s19 =	simm.s32 $0x3000  }
0x7: {  	s20 =	simm.s32 $0x3800;
	s21 =	simm.s32 $0x3C00;
	s22 =	simm.s32 $0x3400  }
0x8: {  	s29 =	simm.s32 $0x0;
	s30 =	simm.s32 $0x0;
	[smem:$0x7FF] =	sst s4  }
0x9: {  	s5 =	sand.u32 $0x1, s5;
	s8 =	smul.u32 $0x16800, s12;
	s6 =	sadd.s32 $0x1800, s2  }
0xa: {  	s7 =	sadd.s32 $0x1E00, s2;
	s10 =	sadd.s32 $0x2CC00, s2;
	s26 =	sshll.u32 s12, $0x6  }
0xb: {  	s12 =	smul.u32 $0x5000, s12;
	_ =	strace $0x80000047;
	[dreg:$0x5] =	wrdreg s6  }
0xc: {  	s11 =	sadd.s32 $0x29E00, s2;
	s9 =	smul.u32 $0x168000, s5;
	[dreg:$0x6] =	wrdreg s10  }
0xd: {  	s6 =	sadd.s32 $0x1FE00, s2;
	s23 =	ssub.s32 $0x2, s5;
	[dreg:$0x7] =	wrdreg s11  }
0xe: {  	s10 =	sor.u32 $0x1C03, s26;
	s5 =	sshll.u32 s5, $0x8;
	s24 =	sshrl.u32 s23, $0x1  }
0xf: {  	s0 =	sadd.s32 s0, s5;
	s9 =	sadd.s32 s8, s9;
	s25 =	ssub.s32 s23, s24  }
0x10: {  	s8 =	sadd.s32 s8, s3;
	[dreg:$0x8] =	wrdreg s0;
	s9 =	sshrl.u32 s9, $0x3  }
0x11: {  	s23 =	simm.s32 $0x40;
	s31 =	smax.u32 s25, $0x1;
	s2 =	sadd.s32 s9, s2  }
0x12: {  	v0 =	vlaneseq.u32;
	v1 =	vimm.bf16 $1.0010e-02;
	s24 =	simm.s32 $0x4810;
	[dreg:$0xa] =	wrdreg s31;
	s28 =	sadd.s32 $0x2CE00, s2  }
0x13: {  	v2 =	vor.u32 $0x10, v0;
	v3 =	vor.u32 $0x20, v0;
	v4 =	vor.u32 $0x30, v0;
	s15 =	sshrl.u32 s8, $0x3;
	s25 =	simm.s32 $0x6C10;
	[dreg:$0x9] =	wrdreg s28  }
.LBB2_1:
0x14: {  	s0 =	rddreg [dreg:$0x7]  }
0x15: {  	[spmem:s15], [sflag:s10] =	dma.local [hbm:s0], $0x2D00  }
0x16: {  	_ =	swait.ge [sflag:s16], $0x2D00  }
0x17: {  	[sflag:s16] =	ssyncset.done $0x0  }
0x18: {  	s26 =	rddreg [dreg:$0x8];
	[sflag:s16] =	ssyncadd.s32 $0xFFFFD300  }
0x19: {  	[tilespmem:s4], [sflag:$0x3] =	stream.linear.gather [hbm4b:s26+s4], $0x800, $0x38;
	[tilespmem:$0x1F810] =	vst v63  }
0x1a: {  	_ =	swait.ge [sflag:s16], $0x800  }
0x1b: {  	[sflag:s16] =	ssyncset.done $0x0  }
0x1c: {  	s28 =	rddreg [dreg:$0x5];
	[sflag:s16] =	ssyncadd.s32 $0xFFFFF800  }
0x1d: {  	[tilespmem:s17], [sflag:$0x3] =	stream.linear.gather [hbm4b:s28+s4], $0x2800, $0x38;
	[tilespmem:$0x1F810] =	vst v63  }
0x1e: {  	_ =	swait.ge [sflag:s16], $0x2800  }
0x1f: {  	[sflag:s16] =	ssyncset.done $0x0  }
0x20: {  	s2 =	simm.s32 $0x4800;
	s31 =	rddreg [dreg:$0x6];
	[sflag:s16] =	ssyncadd.s32 $0xFFFFD800  }
0x21: {  	[tilespmem:s2], [sflag:$0x3] =	stream.linear.gather [hbm4b:s31+s4], $0x10, $0x38;
	[tilespmem:$0x1F810] =	vst v63  }
0x22: {  	_ =	swait.ge [sflag:s16], $0x10  }
0x23: {  	[sflag:s16] =	ssyncset.done $0x0  }
0x24: {  	[sflag:s16] =	ssyncadd.s32 $0xFFFFFFF0  }
0x25: {  	[bflag:$0x0] =	sbarrier.arrive $0xFFFF  }
0x26: {  	v5 =	vld [tilespmem:$0x680]  }
0x27: {  	v6 =	vld [tilespmem:$0x690]  }
0x28: {  	v7 =	vld [tilespmem:$0x6A0]  }
0x29: {  	v8 =	vld [tilespmem:$0x6B0]  }
0x2a: {  	v9 =	vld [tilespmem:$0x6C0]  }
0x2b: {  	v10 =	vld [tilespmem:$0x6D0]  }
0x2c: {  	v11 =	vld [tilespmem:$0x6E0]  }
0x2d: {  	v12 =	vld [tilespmem:$0x6F0]  }
0x2e: {  	v17 =	vld [tilespmem:$0x4800]  }
0x2f: {  	v13 =	vld [tilespmem:$0x700]  }
0x30: {  	v14 =	vld [tilespmem:$0x710]  }
0x31: {  	v15 =	vld [tilespmem:$0x720]  }
0x32: {  	s0 =	simm.s32 $0x440;
	s2 =	simm.s32 $0x80;
	v16 =	vld [tilespmem:$0x730]  }
.LBB2_2:
0x33: {  	p0 =	sne.s32 s0, $0x8FC0;
	[tilespmem:s2+$0x4810] =	vst v17;
	s2 =	smov.u32 s0;
	s0 =	sadd.s32 $0x240, s0  }
.Ltmp0:
0x34: {  	(pc) =	sbr.rel @p0 .LBB2_2-.Ltmp0, $2  }
0x35: {  	_ =	sdelay $0x2  }
0x36: {  	s2 =	sshra.s32 s2, $0x2  }
0x37: {  	[tilespmem:s2+$0x4810] =	vst v17;
	s0 =	simm.s32 $0x440;
	s2 =	simm.s32 $0x80  }
.LBB2_4:
0x38: {  	p0 =	sne.s32 s0, $0x8FC0;
	[tilespmem:s2+$0x6C10] =	vst v17;
	s2 =	smov.u32 s0;
	s0 =	sadd.s32 $0x240, s0  }
.Ltmp1:
0x39: {  	(pc) =	sbr.rel @p0 .LBB2_4-.Ltmp1, $2  }
0x3a: {  	_ =	sdelay $0x2  }
0x3b: {  	s2 =	sshra.s32 s2, $0x2  }
0x3c: {  	[tilespmem:s2+$0x6C10] =	vst v17;
	s31 =	simm.s32 $0x0  }
.LBB2_6:
0x3d: {  	p0 =	seq.s32 s31, $0x0  }
0x3e: {  	s0 =	simm.s32 @!p0 $0x1  }
0x3f: {  	_ =	swait.ge @!p0 [sflag:s0], $0x2400  }
0x40: {  	[sflag:s0] =	ssyncset.done @!p0 $0x0  }
0x41: {  	s2 =	sshll.u32 s31, $0xA;
	[sflag:s0] =	ssyncadd.s32 @!p0 $0xFFFFDC00;
	s0 =	simm.s32 @!p0 $0x2  }
0x42: {  	s2 =	sadd.s32 s12, s2;
	_ =	swait.ge @!p0 [sflag:s0], $0x2400  }
0x43: {  	s5 =	sshrl.u32 s2, $0x3;
	[sflag:s0] =	ssyncset.done @!p0 $0x0  }
0x44: {  	s18 =	sadd.s32 s1, s5;
	[sflag:s0] =	ssyncadd.s32 @!p0 $0xFFFFDC00  }
0x45: {  	[tilespmem:s19], [sflag:$0x3] =	stream.linear.gather [hbm4b:s18+s30], $0x400, $0x38;
	[tilespmem:$0x1F810] =	vst v63  }
0x46: {  	_ =	swait.ge [sflag:s16], $0x400  }
0x47: {  	[sflag:s16] =	ssyncset.done $0x0  }
0x48: {  	s28 =	smul.u32 $0x3, s2;
	s26 =	sadd.s32 s6, s5;
	[sflag:s16] =	ssyncadd.s32 $0xFFFFFC00  }
0x49: {  	[tilespmem:s20], [sflag:$0x3] =	stream.linear.gather [hbm4b:s26+s30], $0x400, $0x38;
	[tilespmem:$0x1F810] =	vst v63  }
0x4a: {  	_ =	swait.ge [sflag:s16], $0x400  }
0x4b: {  	s0 =	sshrl.u32 s28, $0x3;
	[sflag:s16] =	ssyncset.done $0x0  }
0x4c: {  	s0 =	sadd.s32 s7, s0;
	[sflag:s16] =	ssyncadd.s32 $0xFFFFFC00  }
0x4d: {  	[tilespmem:s21], [sflag:$0x3] =	stream.linear.gather [hbm4b:s0+s30], $0xC00, $0x38;
	[tilespmem:$0x1F810] =	vst v63  }
0x4e: {  	_ =	swait.ge [sflag:s16], $0xC00  }
0x4f: {  	[sflag:s16] =	ssyncset.done $0x0  }
0x50: {  	s0 =	simm.s32 $0x0;
	[sflag:s16] =	ssyncadd.s32 $0xFFFFF400  }
0x51: {  	v17 =	vld [tilespmem:s0+$0x3000];
	_ =	sdelay $0x7  }
0x52: {  	s2 =	simm.s32 $0x10;
	s5 =	simm.s32 $0x80;
	v17 =	vld.idx.msk [tilespmem:v17+s17+$0x0], $0xffff  }
.LBB2_7:
0x53: {  	p0 =	sne.s32 s5, $0xFC0;
	v18 =	vld [tilespmem:s2+$0x3000];
	_ =	sdelay $0x3  }
.Ltmp2:
0x54: {  	(pc) =	sbr.rel @p0 .LBB2_7-.Ltmp2, $2  }
0x55: {  	[tilespmem:s0+$0x3400] =	vst v17;
	s0 =	smov.u32 s2;
	_ =	sdelay $0x2  }
0x56: {  	s2 =	sshra.s32 s5, $0x2;
	s5 =	sadd.s32 $0x40, s5;
	v17 =	vld.idx.msk [tilespmem:v18+s17+$0x0], $0xffff  }
0x57: {  	v18 =	vld [tilespmem:s2+$0x3000];
	_ =	sdelay $0x7  }
0x58: {  	v18 =	vld.idx.msk [tilespmem:v18+s17+$0x0], $0xffff;
	_ =	sdelay $0x3  }
0x59: {  	[tilespmem:s0+$0x3400] =	vst v17  }
0x5a: {  	s18 =	simm.s32 $0x0;
	s0 =	simm.s32 $0x0;
	[tilespmem:s2+$0x3400] =	vst v18;
	s2 =	simm.s32 $0x40  }
.LBB2_9:
0x5b: {  	s5 =	sadd.s32 $0x0, s0  }
0x5c: {  	p0 =	seq.s32 s18, $0x0;
	v17 =	vmov s5  }
0x5d: {  	s5 =	simm.s32 @!p0 $0x1  }
0x5e: {  	_ =	swait.ge @!p0 [sflag:s5], $0x2400  }
0x5f: {  	[sflag:s5] =	ssyncset.done @!p0 $0x0  }
0x60: {  	[sflag:s5] =	ssyncadd.s32 @!p0 $0xFFFFDC00  }
0x61: {  	v18 =	vld.idx.msk [tilespmem:v17+s22+$0x0], $0xffff;
	_ =	sdelay $0x4  }
0x62: {  	v19 =	vor.u32 $0x400, v17;
	v31 =	vshll.u32 v18, $0x6  }
0x63: {  	v18 =	vor.u32 v0, v31;
	_ =	sdelay $0x1  }
0x64: {  	s11 =	sadd.s32 $0x1, s0;
	v20 =	vor.u32 $0x800, v17  }
0x65: {  	v30 =	vld.idx.msk [tilespmem:v17+s21+$0x0], $0xffff;
	v17 =	vmov s11  }
0x66: {  	v28 =	vld.idx.msk [tilespmem:v19+s21+$0x0], $0xffff  }
0x67: {  	v18 =	vld.idx.msk [tilespmem:v18+s4+$0x0], $0xffff;
	_ =	sdelay $0x1  }
0x68: {  	v29 =	vld.idx.msk [tilespmem:v20+s21+$0x0], $0xffff  }
0x69: {  	v19 =	vmul.bf16 v30, v5;
	v20 =	vld.idx.msk [tilespmem:v17+s22+$0x0], $0xffff;
	_ =	sdelay $0x1  }
0x6a: {  	v21 =	vmul.bf16 v28, v9;
	v18 =	vadd.bf16 v18, v19;
	_ =	sdelay $0x1  }
0x6b: {  	v19 =	vmul.bf16 v29, v13;
	v18 =	vadd.bf16 v18, v21  }
0x6c: {  	v33 =	vshll.u32 v20, $0x6;
	v21 =	vor.u32 $0x400, v17  }
0x6d: {  	s13 =	sadd.s32 $0x2, s0;
	v18 =	vadd.bf16 v18, v19;
	v19 =	vor.u32 v0, v33  }
0x6e: {  	v25 =	vmov s13  }
0x6f: {  	v20 =	vor.u32 $0x800, v17;
	v22 =	vmul.bf16 v1, v18  }
0x70: {  	v23 =	vld.idx.msk [tilespmem:v17+s21+$0x0], $0xffff;
	v24 =	vor.u32 v2, v31  }
0x71: {  	v21 =	vld.idx.msk [tilespmem:v21+s21+$0x0], $0xffff;
	v17 =	vmax.bf16 v18, v22  }
0x72: {  	s8 =	simm.s32 $0x4850;
	v18 =	vunpack.i.l.bf16.f32 v17;
	v19 =	vld.idx.msk [tilespmem:v19+s4+$0x0], $0xffff  }
0x73: {  	v22 =	vld.idx.msk [tilespmem:v25+s22+$0x0], $0xffff;
	v17 =	vunpack.i.u.bf16.f32 v17;
	[tilespmem:s8+$0xFFFFFFC0] =	vst v18  }
0x74: {  	v18 =	vld.idx.msk [tilespmem:v20+s21+$0x0], $0xffff;
	[tilespmem:s8+$0xFFFFFFD0] =	vst v17  }
0x75: {  	v20 =	vmul.bf16 v23, v5;
	v17 =	vld.idx.msk [tilespmem:v24+s4+$0x0], $0xffff;
	_ =	sdelay $0x1  }
0x76: {  	v24 =	vmul.bf16 v21, v9;
	v19 =	vadd.bf16 v19, v20  }
0x77: {  	v20 =	vmul.bf16 v30, v6  }
0x78: {  	v22 =	vshll.u32 v22, $0x6;
	v19 =	vadd.bf16 v19, v24;
	v24 =	vmul.bf16 v18, v13  }
0x79: {  	v27 =	vor.u32 v0, v22;
	v17 =	vadd.bf16 v17, v20;
	v20 =	vmul.bf16 v28, v10  }
0x7a: {  	v26 =	vor.u32 $0x400, v25;
	v24 =	vadd.bf16 v19, v24  }
0x7b: {  	v17 =	vadd.bf16 v17, v20;
	v20 =	vmul.bf16 v29, v14  }
0x7c: {  	v32 =	vor.u32 $0x800, v25;
	v34 =	vmul.bf16 v1, v24  }
0x7d: {  	v19 =	vld.idx.msk [tilespmem:v25+s21+$0x0], $0xffff;
	v25 =	vor.u32 v2, v33;
	v35 =	vadd.bf16 v17, v20  }
0x7e: {  	s14 =	sadd.s32 $0x3, s0;
	v27 =	vld.idx.msk [tilespmem:v27+s4+$0x0], $0xffff;
	v17 =	vmax.bf16 v24, v34  }
0x7f: {  	s9 =	simm.s32 $0x48E0;
	v20 =	vld.idx.msk [tilespmem:v26+s21+$0x0], $0xffff;
	v24 =	vmov s14;
	v47 =	vmul.bf16 v1, v35;
	v26 =	vunpack.i.l.bf16.f32 v17  }
0x80: {  	v36 =	vunpack.i.u.bf16.f32 v17;
	[tilespmem:s9+$0xFFFFFFC0] =	vst v26;
	v26 =	vor.u32 v3, v31  }
0x81: {  	v17 =	vld.idx.msk [tilespmem:v32+s21+$0x0], $0xffff;
	[tilespmem:s9+$0xFFFFFFD0] =	vst v36;
	v48 =	vmax.bf16 v35, v47  }
0x82: {  	v49 =	vmul.bf16 v19, v5;
	v25 =	vld.idx.msk [tilespmem:v25+s4+$0x0], $0xffff;
	v35 =	vunpack.i.l.bf16.f32 v48  }
0x83: {  	v32 =	vunpack.i.u.bf16.f32 v48;
	[tilespmem:s8+$0xFFFFFFE0] =	vst v35  }
0x84: {  	v51 =	vmul.bf16 v20, v9;
	v27 =	vadd.bf16 v27, v49;
	[tilespmem:s8+$0xFFFFFFF0] =	vst v32;
	v50 =	vld.idx.msk [tilespmem:v24+s22+$0x0], $0xffff  }
0x85: {  	v52 =	vmul.bf16 v23, v6;
	v26 =	vld.idx.msk [tilespmem:v26+s4+$0x0], $0xffff  }
0x86: {  	v34 =	vadd.bf16 v27, v51;
	v53 =	vmul.bf16 v17, v13  }
0x87: {  	v38 =	vmul.bf16 v30, v7;
	v54 =	vmul.bf16 v21, v10;
	v25 =	vadd.bf16 v25, v52  }
0x88: {  	v57 =	vmul.bf16 v28, v11;
	v56 =	vmul.bf16 v18, v14;
	v34 =	vadd.bf16 v34, v53  }
0x89: {  	v37 =	vor.u32 $0x400, v24;
	v27 =	vshll.u32 v50, $0x6;
	v25 =	vadd.bf16 v25, v54  }
0x8a: {  	v39 =	vmul.bf16 v1, v34;
	v55 =	vor.u32 v0, v27;
	v26 =	vadd.bf16 v26, v38  }
0x8b: {  	v41 =	vmul.bf16 v29, v15;
	v40 =	vor.u32 v2, v22;
	v58 =	vor.u32 $0x800, v24  }
0x8c: {  	s26 =	sadd.s32 $0x4, s0;
	v32 =	vadd.bf16 v25, v56;
	v34 =	vmax.bf16 v34, v39;
	v26 =	vadd.bf16 v26, v57  }
0x8d: {  	v59 =	vmov s26;
	s11 =	simm.s32 $0x4970;
	v24 =	vld.idx.msk [tilespmem:v24+s21+$0x0], $0xffff;
	v60 =	vunpack.i.l.bf16.f32 v34  }
0x8e: {  	v25 =	vld.idx.msk [tilespmem:v37+s21+$0x0], $0xffff;
	v34 =	vunpack.i.u.bf16.f32 v34;
	v61 =	vmul.bf16 v1, v32;
	[tilespmem:s11+$0xFFFFFFC0] =	vst v60;
	v41 =	vadd.bf16 v26, v41  }
0x8f: {  	v62 =	vor.u32 v3, v33;
	[tilespmem:s11+$0xFFFFFFD0] =	vst v34;
	v35 =	vld.idx.msk [tilespmem:v55+s4+$0x0], $0xffff  }
0x90: {  	v46 =	vld.idx.msk [tilespmem:v40+s4+$0x0], $0xffff;
	v32 =	vmax.bf16 v32, v61;
	v63 =	vmul.bf16 v1, v41  }
0x91: {  	v43 =	vmul.bf16 v23, v7;
	v31 =	vor.u32 v4, v31;
	v26 =	vld.idx.msk [tilespmem:v58+s21+$0x0], $0xffff;
	v47 =	vunpack.i.l.bf16.f32 v32  }
0x92: {  	v45 =	vmul.bf16 v24, v5;
	v32 =	vunpack.i.u.bf16.f32 v32;
	[tilespmem:s9+$0xFFFFFFE0] =	vst v47;
	v34 =	vmax.bf16 v41, v63  }
0x93: {  	v42 =	vld.idx.msk [tilespmem:v59+s22+$0x0], $0xffff;
	v51 =	vmul.bf16 v30, v8;
	v50 =	vmul.bf16 v19, v6;
	[tilespmem:s9+$0xFFFFFFF0] =	vst v32;
	v49 =	vunpack.i.l.bf16.f32 v34  }
0x94: {  	v48 =	vmul.bf16 v25, v9;
	v37 =	vld.idx.msk [tilespmem:v62+s4+$0x0], $0xffff;
	v35 =	vadd.bf16 v35, v45;
	v34 =	vunpack.i.u.bf16.f32 v34;
	[tilespmem:s8+$0x0] =	vst v49  }
0x95: {  	v52 =	vor.u32 $0x400, v59;
	v55 =	vmul.bf16 v20, v10;
	v32 =	vadd.bf16 v46, v50;
	[tilespmem:s8+$0x10] =	vst v34  }
0x96: {  	v56 =	vmul.bf16 v28, v12;
	v53 =	vmul.bf16 v26, v13;
	v30 =	vadd.bf16 v35, v48;
	v54 =	vld.idx.msk [tilespmem:v31+s4+$0x0], $0xffff  }
0x97: {  	v40 =	vor.u32 $0x800, v59;
	v58 =	vmul.bf16 v21, v11;
	v28 =	vadd.bf16 v32, v55  }
0x98: {  	v31 =	vshll.u32 v42, $0x6;
	v35 =	vadd.bf16 v30, v53;
	v30 =	vmul.bf16 v17, v14  }
0x99: {  	v47 =	vmul.bf16 v18, v15;
	v44 =	vor.u32 v0, v31;
	v37 =	vadd.bf16 v37, v43  }
0x9a: {  	s28 =	sadd.s32 $0x5, s0;
	v46 =	vor.u32 v2, v27;
	v57 =	vmul.bf16 v1, v35;
	v45 =	vadd.bf16 v28, v30  }
0x9b: {  	v34 =	vmov s28;
	v30 =	vld.idx.msk [tilespmem:v59+s21+$0x0], $0xffff;
	v59 =	vadd.bf16 v37, v58;
	v60 =	vadd.bf16 v54, v51  }
0x9c: {  	v48 =	vmul.bf16 v29, v16;
	v29 =	vld.idx.msk [tilespmem:v40+s21+$0x0], $0xffff;
	v32 =	vmax.bf16 v35, v57;
	v62 =	vmul.bf16 v1, v45  }
0x9d: {  	s13 =	simm.s32 $0x4A00;
	v28 =	vld.idx.msk [tilespmem:v52+s21+$0x0], $0xffff;
	v39 =	vadd.bf16 v59, v47;
	v61 =	vunpack.i.l.bf16.f32 v32;
	v63 =	vadd.bf16 v60, v56  }
0x9e: {  	v38 =	vor.u32 v3, v22;
	v43 =	vld.idx.msk [tilespmem:v44+s4+$0x0], $0xffff;
	v32 =	vunpack.i.u.bf16.f32 v32;
	[tilespmem:s13+$0xFFFFFFC0] =	vst v61  }
0x9f: {  	[tilespmem:s13+$0xFFFFFFD0] =	vst v32;
	v42 =	vmax.bf16 v45, v62;
	v41 =	vmul.bf16 v1, v39;
	v32 =	vadd.bf16 v63, v48  }
0xa0: {  	s5 =	sshll.u32 s18, $0x7;
	s14 =	simm.s32 $0x6;
	v37 =	vor.u32 v4, v33;
	v45 =	vmul.bf16 v30, v5;
	v40 =	vld.idx.msk [tilespmem:v46+s4+$0x0], $0xffff;
	v44 =	vunpack.i.l.bf16.f32 v42  }
.LBB2_10:
0xa1: {  	p1 =	sne.s32 s14, $0x3F;
	v33 =	vld.idx.msk [tilespmem:v34+s22+$0x0], $0xffff;
	v35 =	vunpack.i.u.bf16.f32 v42;
	[tilespmem:s11+$0xFFFFFFE0] =	vst v44;
	v36 =	vmax.bf16 v39, v41;
	v39 =	vmul.bf16 v1, v32;
	s26 =	smov.u32 s11;
	s11 =	smov.u32 s13  }
0xa2: {  	v41 =	vor.u32 $0x800, v34;
	v42 =	vmul.bf16 v28, v9;
	v46 =	vmovc v22;
	v22 =	vmovc v27;
	[tilespmem:s26+$0xFFFFFFF0] =	vst v35;
	v35 =	vunpack.i.l.bf16.f32 v36  }
0xa3: {  	v43 =	vadd.bf16 v43, v45;
	v44 =	vunpack.i.u.bf16.f32 v36;
	v38 =	vld.idx.msk [tilespmem:v38+s4+$0x0], $0xffff;
	[tilespmem:s9+$0x0] =	vst v35;
	v32 =	vmax.bf16 v32, v39  }
0xa4: {  	v27 =	vmovc v31;
	v36 =	vmul.bf16 v23, v8;
	v35 =	vmul.bf16 v24, v6;
	[tilespmem:s9+$0x10] =	vst v44;
	v45 =	vunpack.i.u.bf16.f32 v32  }
0xa5: {  	v39 =	vor.u32 $0x400, v34;
	v42 =	vadd.bf16 v43, v42;
	v43 =	vmul.bf16 v29, v13;
	v37 =	vld.idx.msk [tilespmem:v37+s4+$0x0], $0xffff;
	[tilespmem:s8+$0x30] =	vst v45  }
0xa6: {  	v23 =	vmovc v19;
	v44 =	vmul.bf16 v19, v7;
	v35 =	vadd.bf16 v40, v35;
	v40 =	vmul.bf16 v25, v10  }
0xa7: {  	v19 =	vmovc v24;
	v24 =	vmovc v30;
	v31 =	vshll.u32 v33, $0x6;
	v33 =	vadd.bf16 v42, v43;
	v42 =	vmul.bf16 v21, v12  }
0xa8: {  	v21 =	vmovc v20;
	v43 =	vor.u32 v0, v31;
	v35 =	vadd.bf16 v35, v40;
	v40 =	vmul.bf16 v26, v14  }
0xa9: {  	v20 =	vmovc v25;
	v45 =	vmul.bf16 v1, v33;
	v38 =	vadd.bf16 v38, v44;
	v44 =	vmul.bf16 v21, v11  }
0xaa: {  	v47 =	vor.u32 v2, v27;
	v35 =	vadd.bf16 v35, v40;
	v40 =	vmul.bf16 v17, v15;
	v30 =	vld.idx.msk [tilespmem:v34+s21+$0x0], $0xffff  }
0xab: {  	s28 =	sadd.s32 s14, s0;
	v25 =	vmovc v28;
	v33 =	vmax.bf16 v33, v45;
	v38 =	vadd.bf16 v38, v44;
	v36 =	vadd.bf16 v37, v36  }
.Ltmp3:
0xac: {  	v34 =	vmov s28;
	v44 =	vmul.bf16 v18, v16;
	v18 =	vmovc v17;
	v17 =	vmovc v26;
	v37 =	vunpack.i.l.bf16.f32 v33;
	v28 =	vld.idx.msk [tilespmem:v39+s21+$0x0], $0xffff;
	(pc) =	sbr.rel @p1 .LBB2_10-.Ltmp3, $4  }
0xad: {  	s13 =	sadd.s32 $0x90, s13;
	v45 =	vmul.bf16 v1, v35;
	v39 =	vadd.bf16 v38, v40;
	v36 =	vadd.bf16 v36, v42;
	v43 =	vld.idx.msk [tilespmem:v43+s4+$0x0], $0xffff  }
0xae: {  	v48 =	vunpack.i.l.bf16.f32 v32;
	v26 =	vmovc v29;
	v33 =	vunpack.i.u.bf16.f32 v33;
	v38 =	vor.u32 v3, v22;
	[tilespmem:s13+$0xFFFFFFC0] =	vst v37;
	v29 =	vld.idx.msk [tilespmem:v41+s21+$0x0], $0xffff  }
0xaf: {  	v42 =	vmax.bf16 v35, v45;
	v41 =	vmul.bf16 v1, v39;
	v32 =	vadd.bf16 v36, v44;
	[tilespmem:s13+$0xFFFFFFD0] =	vst v33  }
0xb0: {  	s14 =	sadd.s32 $0x1, s14;
	v44 =	vunpack.i.l.bf16.f32 v42;
	v37 =	vor.u32 v4, v46;
	v45 =	vmul.bf16 v30, v5;
	v40 =	vld.idx.msk [tilespmem:v47+s4+$0x0], $0xffff;
	[tilespmem:s8+$0x20] =	vst v48;
	s8 =	smov.u32 s9;
	s9 =	smov.u32 s26  }
0xb1: {  	_ =	sdelay $0x3  }
0xb2: {  	v33 =	vld.idx.msk [tilespmem:v34+s22+$0x0], $0xffff;
	_ =	sdelay $0x4  }
0xb3: {  	v46 =	vor.u32 $0x400, v34;
	v36 =	vshll.u32 v33, $0x6  }
0xb4: {  	v33 =	vor.u32 v0, v36;
	_ =	sdelay $0x1  }
0xb5: {  	v47 =	vor.u32 $0x800, v34  }
0xb6: {  	v35 =	vld.idx.msk [tilespmem:v34+s21+$0x0], $0xffff  }
0xb7: {  	v34 =	vld.idx.msk [tilespmem:v46+s21+$0x0], $0xffff  }
0xb8: {  	v63 =	vld.idx.msk [tilespmem:v33+s4+$0x0], $0xffff;
	_ =	sdelay $0x1  }
0xb9: {  	v33 =	vld.idx.msk [tilespmem:v47+s21+$0x0], $0xffff  }
0xba: {  	v48 =	vmul.bf16 v28, v9;
	v43 =	vadd.bf16 v43, v45;
	v52 =	vmul.bf16 v35, v5  }
0xbb: {  	v53 =	vmul.bf16 v29, v13  }
0xbc: {  	v43 =	vadd.bf16 v43, v48;
	v54 =	vmul.bf16 v34, v9;
	v45 =	vadd.bf16 v63, v52;
	_ =	sdelay $0x1  }
0xbd: {  	v43 =	vadd.bf16 v43, v53;
	v55 =	vmul.bf16 v33, v13;
	v45 =	vadd.bf16 v45, v54;
	_ =	sdelay $0x1  }
0xbe: {  	v47 =	vmul.bf16 v1, v43;
	v45 =	vadd.bf16 v45, v55  }
0xbf: {  	v56 =	vor.u32 v2, v31  }
0xc0: {  	v43 =	vmax.bf16 v43, v47;
	v58 =	vmul.bf16 v1, v45  }
0xc1: {  	s14 =	sadd.s32 $0x90, s13;
	v59 =	vor.u32 v2, v36;
	v57 =	vunpack.i.l.bf16.f32 v43  }
0xc2: {  	v43 =	vunpack.i.u.bf16.f32 v43;
	[tilespmem:s14+$0xFFFFFFC0] =	vst v57;
	v60 =	vmax.bf16 v45, v58  }
0xc3: {  	v61 =	vmul.bf16 v24, v6;
	s26 =	sadd.s32 $0x90, s14;
	[tilespmem:s14+$0xFFFFFFD0] =	vst v43;
	v63 =	vunpack.i.l.bf16.f32 v60  }
0xc4: {  	v62 =	vld.idx.msk [tilespmem:v56+s4+$0x0], $0xffff;
	v43 =	vunpack.i.u.bf16.f32 v60;
	[tilespmem:s26+$0xFFFFFFC0] =	vst v63  }
0xc5: {  	v50 =	vmul.bf16 v25, v10;
	v40 =	vadd.bf16 v40, v61;
	[tilespmem:s26+$0xFFFFFFD0] =	vst v43  }
0xc6: {  	v46 =	vld.idx.msk [tilespmem:v59+s4+$0x0], $0xffff  }
0xc7: {  	v51 =	vmul.bf16 v30, v6;
	v40 =	vadd.bf16 v40, v50;
	v52 =	vmul.bf16 v26, v14  }
0xc8: {  	v53 =	vmul.bf16 v28, v10  }
0xc9: {  	v54 =	vmul.bf16 v35, v6;
	v40 =	vadd.bf16 v40, v52;
	v43 =	vadd.bf16 v62, v51  }
0xca: {  	v42 =	vunpack.i.u.bf16.f32 v42;
	v57 =	vmul.bf16 v34, v10;
	v55 =	vmul.bf16 v29, v14  }
0xcb: {  	[tilespmem:s11+$0xFFFFFFE0] =	vst v44;
	v58 =	vmul.bf16 v1, v40;
	v43 =	vadd.bf16 v43, v53;
	v56 =	vadd.bf16 v46, v54  }
0xcc: {  	v39 =	vmax.bf16 v39, v41;
	[tilespmem:s11+$0xFFFFFFF0] =	vst v42;
	v61 =	vmul.bf16 v33, v14;
	v59 =	vor.u32 v3, v27  }
0xcd: {  	v38 =	vld.idx.msk [tilespmem:v38+s4+$0x0], $0xffff;
	v40 =	vmax.bf16 v40, v58;
	v42 =	vadd.bf16 v43, v55;
	v60 =	vadd.bf16 v56, v57  }
0xce: {  	v23 =	vmul.bf16 v23, v8;
	v21 =	vmul.bf16 v21, v12;
	v48 =	vunpack.i.l.bf16.f32 v40  }
0xcf: {  	v40 =	vunpack.i.u.bf16.f32 v40;
	[tilespmem:s13+$0xFFFFFFE0] =	vst v48;
	v49 =	vmul.bf16 v1, v42;
	v43 =	vadd.bf16 v60, v61  }
0xd0: {  	v50 =	vor.u32 v3, v31;
	v62 =	vunpack.i.l.bf16.f32 v39;
	v63 =	vmul.bf16 v19, v7;
	[tilespmem:s13+$0xFFFFFFF0] =	vst v40  }
0xd1: {  	v39 =	vunpack.i.u.bf16.f32 v39;
	[tilespmem:s9+$0x0] =	vst v62;
	v54 =	vld.idx.msk [tilespmem:v59+s4+$0x0], $0xffff;
	v51 =	vmax.bf16 v42, v49;
	v52 =	vmul.bf16 v1, v43  }
0xd2: {  	[tilespmem:s9+$0x10] =	vst v39;
	v38 =	vadd.bf16 v38, v63;
	v55 =	vor.u32 v3, v36;
	v44 =	vunpack.i.l.bf16.f32 v51  }
0xd3: {  	v53 =	vmul.bf16 v20, v11;
	v40 =	vunpack.i.u.bf16.f32 v51;
	[tilespmem:s14+$0xFFFFFFE0] =	vst v44;
	v41 =	vmax.bf16 v43, v52  }
0xd4: {  	v22 =	vor.u32 v4, v22;
	v58 =	vmul.bf16 v24, v7;
	[tilespmem:s14+$0xFFFFFFF0] =	vst v40;
	v57 =	vunpack.i.l.bf16.f32 v41  }
0xd5: {  	v38 =	vadd.bf16 v38, v53;
	v56 =	vmul.bf16 v17, v15;
	v44 =	vld.idx.msk [tilespmem:v50+s4+$0x0], $0xffff;
	v41 =	vunpack.i.u.bf16.f32 v41;
	[tilespmem:s26+$0xFFFFFFE0] =	vst v57  }
0xd6: {  	v37 =	vld.idx.msk [tilespmem:v37+s4+$0x0], $0xffff;
	v60 =	vmul.bf16 v25, v11;
	v40 =	vadd.bf16 v54, v58;
	[tilespmem:s26+$0xFFFFFFF0] =	vst v41  }
0xd7: {  	v18 =	vmul.bf16 v18, v16;
	v63 =	vmul.bf16 v30, v7;
	v38 =	vadd.bf16 v38, v56;
	v61 =	vld.idx.msk [tilespmem:v55+s4+$0x0], $0xffff  }
0xd8: {  	v48 =	vmul.bf16 v26, v15;
	v53 =	vmul.bf16 v29, v15;
	v40 =	vadd.bf16 v40, v60  }
0xd9: {  	v27 =	vor.u32 v4, v27;
	v51 =	vmul.bf16 v35, v7;
	v62 =	vmul.bf16 v1, v38  }
0xda: {  	v50 =	vmul.bf16 v28, v11;
	v52 =	vadd.bf16 v40, v48;
	v49 =	vadd.bf16 v44, v63  }
0xdb: {  	v23 =	vadd.bf16 v37, v23;
	v54 =	vmul.bf16 v34, v11;
	v37 =	vmax.bf16 v38, v62  }
0xdc: {  	v45 =	vmul.bf16 v1, v52;
	v41 =	vadd.bf16 v49, v50;
	v42 =	vadd.bf16 v61, v51  }
0xdd: {  	v56 =	vmul.bf16 v33, v15;
	v55 =	vunpack.i.l.bf16.f32 v37;
	v37 =	vunpack.i.u.bf16.f32 v37  }
0xde: {  	[tilespmem:s11+$0x0] =	vst v55;
	v38 =	vmax.bf16 v52, v45;
	v40 =	vadd.bf16 v41, v53;
	v42 =	vadd.bf16 v42, v54  }
0xdf: {  	v59 =	vmul.bf16 v1, v32;
	v21 =	vadd.bf16 v23, v21;
	[tilespmem:s11+$0x10] =	vst v37;
	v57 =	vunpack.i.l.bf16.f32 v38  }
0xe0: {  	v22 =	vld.idx.msk [tilespmem:v22+s4+$0x0], $0xffff;
	v23 =	vunpack.i.u.bf16.f32 v38;
	[tilespmem:s13+$0x0] =	vst v57;
	v58 =	vmul.bf16 v1, v40;
	v41 =	vadd.bf16 v42, v56  }
0xe1: {  	v31 =	vor.u32 v4, v31;
	v32 =	vmax.bf16 v32, v59;
	[tilespmem:s13+$0x10] =	vst v23  }
0xe2: {  	v18 =	vadd.bf16 v21, v18;
	v21 =	vld.idx.msk [tilespmem:v27+s4+$0x0], $0xffff;
	v23 =	vmax.bf16 v40, v58;
	v59 =	vmul.bf16 v1, v41  }
0xe3: {  	v19 =	vmul.bf16 v19, v8;
	v36 =	vor.u32 v4, v36;
	v27 =	vunpack.i.l.bf16.f32 v23  }
0xe4: {  	v20 =	vmul.bf16 v20, v12;
	v23 =	vunpack.i.u.bf16.f32 v23;
	[tilespmem:s14+$0x0] =	vst v27;
	v27 =	vmax.bf16 v41, v59  }
0xe5: {  	v19 =	vadd.bf16 v22, v19;
	v22 =	vmul.bf16 v24, v8;
	[tilespmem:s14+$0x10] =	vst v23;
	v23 =	vunpack.i.l.bf16.f32 v27  }
0xe6: {  	v17 =	vmul.bf16 v17, v16;
	v60 =	vmul.bf16 v1, v18;
	v24 =	vld.idx.msk [tilespmem:v31+s4+$0x0], $0xffff;
	v27 =	vunpack.i.u.bf16.f32 v27;
	[tilespmem:s26+$0x0] =	vst v23  }
0xe7: {  	v19 =	vadd.bf16 v19, v20;
	v20 =	vmul.bf16 v25, v12;
	v21 =	vadd.bf16 v21, v22;
	[tilespmem:s26+$0x10] =	vst v27  }
0xe8: {  	v30 =	vmul.bf16 v30, v8;
	v18 =	vmax.bf16 v18, v60;
	v22 =	vld.idx.msk [tilespmem:v36+s4+$0x0], $0xffff  }
0xe9: {  	v17 =	vadd.bf16 v19, v17;
	v19 =	vmul.bf16 v26, v16;
	v20 =	vadd.bf16 v21, v20  }
0xea: {  	v25 =	vunpack.i.l.bf16.f32 v32;
	v26 =	vmul.bf16 v35, v8;
	v21 =	vmul.bf16 v28, v12  }
0xeb: {  	v28 =	vmul.bf16 v1, v17;
	v19 =	vadd.bf16 v20, v19;
	v24 =	vadd.bf16 v24, v30  }
0xec: {  	v20 =	vmul.bf16 v29, v16;
	v23 =	vunpack.i.u.bf16.f32 v32;
	v27 =	vunpack.i.u.bf16.f32 v18  }
0xed: {  	[tilespmem:s8+$0x30] =	vst v23;
	v23 =	vmul.bf16 v34, v12;
	v21 =	vadd.bf16 v24, v21;
	v22 =	vadd.bf16 v22, v26  }
0xee: {  	[tilespmem:s8+$0x20] =	vst v25;
	v18 =	vunpack.i.l.bf16.f32 v18;
	v17 =	vmax.bf16 v17, v28;
	v24 =	vmul.bf16 v1, v19  }
0xef: {  	[tilespmem:s9+$0x30] =	vst v27;
	v20 =	vadd.bf16 v21, v20;
	v21 =	vmul.bf16 v33, v16;
	v22 =	vadd.bf16 v22, v23  }
0xf0: {  	[tilespmem:s9+$0x20] =	vst v18;
	v18 =	vunpack.i.u.bf16.f32 v17;
	v17 =	vunpack.i.l.bf16.f32 v17  }
0xf1: {  	[tilespmem:s11+$0x30] =	vst v18;
	v18 =	vmax.bf16 v19, v24;
	v19 =	vmul.bf16 v1, v20;
	v21 =	vadd.bf16 v22, v21  }
0xf2: {  	[tilespmem:s11+$0x20] =	vst v17;
	v17 =	vunpack.i.u.bf16.f32 v18  }
0xf3: {  	[tilespmem:s13+$0x30] =	vst v17;
	v17 =	vunpack.i.l.bf16.f32 v18;
	v18 =	vmax.bf16 v20, v19;
	v19 =	vmul.bf16 v1, v21  }
0xf4: {  	[tilespmem:s13+$0x20] =	vst v17;
	v17 =	vunpack.i.u.bf16.f32 v18  }
0xf5: {  	[tilespmem:s14+$0x30] =	vst v17;
	v17 =	vunpack.i.l.bf16.f32 v18;
	v18 =	vmax.bf16 v21, v19  }
0xf6: {  	[tilespmem:s14+$0x20] =	vst v17;
	v17 =	vunpack.i.u.bf16.f32 v18  }
0xf7: {  	s14 =	sand.u32 $0x3FFFFF80, s5;
	[tilespmem:s26+$0x30] =	vst v17;
	v17 =	vunpack.i.l.bf16.f32 v18  }
0xf8: {  	s28 =	sadd.s32 $0x0, s2;
	s8 =	sadd.s32 $0x3800, s14;
	[tilespmem:s26+$0x20] =	vst v17  }
0xf9: {  	v17 =	vmov s28;
	[spmem:s3] =	stream.indirect.scatter.add.f32 [tilespmem:s24], [sflag:$0x1], $0x90, s8, s23, $0xb8;
	[tilespmem:$0x1F810] =	vst v63  }
0xfa: {  	s8 =	simm.s32 @!p0 $0x2  }
0xfb: {  	_ =	swait.ge @!p0 [sflag:s8], $0x2400  }
0xfc: {  	[sflag:s8] =	ssyncset.done @!p0 $0x0  }
0xfd: {  	[sflag:s8] =	ssyncadd.s32 @!p0 $0xFFFFDC00  }
0xfe: {  	v18 =	vld.idx.msk [tilespmem:v17+s22+$0x0], $0xffff;
	_ =	sdelay $0x4  }
0xff: {  	v19 =	vor.u32 $0x400, v17;
	v31 =	vshll.u32 v18, $0x6  }
0x100: {  	v18 =	vor.u32 v0, v31;
	_ =	sdelay $0x1  }
0x101: {  	s11 =	sadd.s32 $0x1, s2;
	v20 =	vor.u32 $0x800, v17  }
0x102: {  	v30 =	vld.idx.msk [tilespmem:v17+s21+$0x0], $0xffff;
	v17 =	vmov s11  }
0x103: {  	v28 =	vld.idx.msk [tilespmem:v19+s21+$0x0], $0xffff  }
0x104: {  	v18 =	vld.idx.msk [tilespmem:v18+s4+$0x0], $0xffff;
	_ =	sdelay $0x1  }
0x105: {  	v29 =	vld.idx.msk [tilespmem:v20+s21+$0x0], $0xffff  }
0x106: {  	v19 =	vmul.bf16 v30, v5;
	v20 =	vld.idx.msk [tilespmem:v17+s22+$0x0], $0xffff;
	_ =	sdelay $0x1  }
0x107: {  	v21 =	vmul.bf16 v28, v9;
	v18 =	vadd.bf16 v18, v19;
	_ =	sdelay $0x1  }
0x108: {  	v19 =	vmul.bf16 v29, v13;
	v18 =	vadd.bf16 v18, v21  }
0x109: {  	v33 =	vshll.u32 v20, $0x6;
	v21 =	vor.u32 $0x400, v17  }
0x10a: {  	v18 =	vadd.bf16 v18, v19;
	v19 =	vor.u32 v0, v33;
	_ =	sdelay $0x1  }
0x10b: {  	v20 =	vor.u32 $0x800, v17;
	v22 =	vmul.bf16 v1, v18  }
0x10c: {  	s13 =	sadd.s32 $0x2, s2;
	v23 =	vld.idx.msk [tilespmem:v17+s21+$0x0], $0xffff;
	v24 =	vor.u32 v2, v31  }
0x10d: {  	v25 =	vmov s13;
	v21 =	vld.idx.msk [tilespmem:v21+s21+$0x0], $0xffff;
	v17 =	vmax.bf16 v18, v22  }
0x10e: {  	s8 =	simm.s32 $0x6C50;
	v18 =	vunpack.i.l.bf16.f32 v17;
	v19 =	vld.idx.msk [tilespmem:v19+s4+$0x0], $0xffff  }
0x10f: {  	v17 =	vunpack.i.u.bf16.f32 v17;
	[tilespmem:s8+$0xFFFFFFC0] =	vst v18  }
0x110: {  	v18 =	vld.idx.msk [tilespmem:v20+s21+$0x0], $0xffff;
	[tilespmem:s8+$0xFFFFFFD0] =	vst v17  }
0x111: {  	v20 =	vmul.bf16 v23, v5;
	v17 =	vld.idx.msk [tilespmem:v24+s4+$0x0], $0xffff  }
0x112: {  	v22 =	vld.idx.msk [tilespmem:v25+s22+$0x0], $0xffff  }
0x113: {  	v24 =	vmul.bf16 v21, v9;
	v19 =	vadd.bf16 v19, v20  }
0x114: {  	v20 =	vmul.bf16 v30, v6  }
0x115: {  	v19 =	vadd.bf16 v19, v24;
	v24 =	vmul.bf16 v18, v13  }
0x116: {  	v17 =	vadd.bf16 v17, v20;
	v20 =	vmul.bf16 v28, v10  }
0x117: {  	v26 =	vor.u32 $0x400, v25;
	v22 =	vshll.u32 v22, $0x6;
	v24 =	vadd.bf16 v19, v24  }
0x118: {  	v27 =	vor.u32 v0, v22;
	v17 =	vadd.bf16 v17, v20;
	v20 =	vmul.bf16 v29, v14  }
0x119: {  	v61 =	vor.u32 $0x800, v25;
	v62 =	vmul.bf16 v1, v24  }
0x11a: {  	v19 =	vld.idx.msk [tilespmem:v25+s21+$0x0], $0xffff;
	v25 =	vor.u32 v2, v33;
	v63 =	vadd.bf16 v17, v20  }
0x11b: {  	s14 =	sadd.s32 $0x3, s2;
	v17 =	vmax.bf16 v24, v62  }
0x11c: {  	s9 =	simm.s32 $0x6CE0;
	v20 =	vld.idx.msk [tilespmem:v26+s21+$0x0], $0xffff;
	v24 =	vmov s14;
	v40 =	vmul.bf16 v1, v63;
	v26 =	vunpack.i.l.bf16.f32 v17  }
0x11d: {  	v27 =	vld.idx.msk [tilespmem:v27+s4+$0x0], $0xffff;
	v41 =	vunpack.i.u.bf16.f32 v17;
	[tilespmem:s9+$0xFFFFFFC0] =	vst v26;
	v26 =	vor.u32 v3, v31  }
0x11e: {  	v17 =	vld.idx.msk [tilespmem:v61+s21+$0x0], $0xffff;
	[tilespmem:s9+$0xFFFFFFD0] =	vst v41;
	v42 =	vmax.bf16 v63, v40  }
0x11f: {  	v25 =	vld.idx.msk [tilespmem:v25+s4+$0x0], $0xffff;
	v35 =	vunpack.i.l.bf16.f32 v42  }
0x120: {  	v43 =	vmul.bf16 v19, v5;
	v32 =	vunpack.i.u.bf16.f32 v42;
	[tilespmem:s8+$0xFFFFFFE0] =	vst v35  }
0x121: {  	[tilespmem:s8+$0xFFFFFFF0] =	vst v32;
	v44 =	vld.idx.msk [tilespmem:v24+s22+$0x0], $0xffff  }
0x122: {  	v46 =	vmul.bf16 v23, v6;
	v45 =	vmul.bf16 v20, v9;
	v27 =	vadd.bf16 v27, v43;
	v26 =	vld.idx.msk [tilespmem:v26+s4+$0x0], $0xffff  }
0x123: {  	v48 =	vmul.bf16 v21, v10  }
0x124: {  	v34 =	vadd.bf16 v27, v45;
	v47 =	vmul.bf16 v17, v13;
	v25 =	vadd.bf16 v25, v46  }
0x125: {  	v50 =	vmul.bf16 v30, v7;
	v52 =	vmul.bf16 v18, v14;
	v49 =	vor.u32 $0x400, v24  }
0x126: {  	v34 =	vadd.bf16 v34, v47;
	v27 =	vshll.u32 v44, $0x6;
	v25 =	vadd.bf16 v25, v48  }
0x127: {  	s26 =	sadd.s32 $0x4, s2;
	v53 =	vmul.bf16 v28, v11;
	v51 =	vor.u32 v0, v27;
	v26 =	vadd.bf16 v26, v50  }
0x128: {  	v36 =	vmov s26;
	v55 =	vmul.bf16 v1, v34;
	v32 =	vadd.bf16 v25, v52  }
0x129: {  	v57 =	vmul.bf16 v29, v15;
	v54 =	vor.u32 $0x800, v24;
	v26 =	vadd.bf16 v26, v53  }
0x12a: {  	v56 =	vor.u32 v2, v22;
	v24 =	vld.idx.msk [tilespmem:v24+s21+$0x0], $0xffff;
	v34 =	vmax.bf16 v34, v55;
	v59 =	vmul.bf16 v1, v32  }
0x12b: {  	s11 =	simm.s32 $0x6D70;
	v60 =	vor.u32 v3, v33;
	v25 =	vld.idx.msk [tilespmem:v49+s21+$0x0], $0xffff;
	v58 =	vunpack.i.l.bf16.f32 v34;
	v41 =	vadd.bf16 v26, v57  }
0x12c: {  	v34 =	vunpack.i.u.bf16.f32 v34;
	[tilespmem:s11+$0xFFFFFFC0] =	vst v58;
	v35 =	vld.idx.msk [tilespmem:v51+s4+$0x0], $0xffff;
	v32 =	vmax.bf16 v32, v59  }
0x12d: {  	v46 =	vld.idx.msk [tilespmem:v36+s22+$0x0], $0xffff;
	[tilespmem:s11+$0xFFFFFFD0] =	vst v34;
	v45 =	vunpack.i.l.bf16.f32 v32;
	v61 =	vmul.bf16 v1, v41  }
0x12e: {  	v31 =	vor.u32 v4, v31;
	v26 =	vld.idx.msk [tilespmem:v54+s21+$0x0], $0xffff;
	v32 =	vunpack.i.u.bf16.f32 v32;
	[tilespmem:s9+$0xFFFFFFE0] =	vst v45  }
0x12f: {  	v40 =	vor.u32 $0x800, v36;
	v62 =	vmul.bf16 v24, v5;
	v63 =	vld.idx.msk [tilespmem:v56+s4+$0x0], $0xffff;
	[tilespmem:s9+$0xFFFFFFF0] =	vst v32;
	v34 =	vmax.bf16 v41, v61  }
0x130: {  	v49 =	vmul.bf16 v19, v6;
	v50 =	vmul.bf16 v30, v8;
	v37 =	vld.idx.msk [tilespmem:v60+s4+$0x0], $0xffff;
	v48 =	vunpack.i.l.bf16.f32 v34  }
0x131: {  	v47 =	vmul.bf16 v25, v9;
	v35 =	vadd.bf16 v35, v62;
	v34 =	vunpack.i.u.bf16.f32 v34;
	[tilespmem:s8+$0x0] =	vst v48  }
0x132: {  	v55 =	vor.u32 v2, v27;
	v51 =	vor.u32 $0x400, v36;
	v54 =	vmul.bf16 v21, v11;
	[tilespmem:s8+$0x10] =	vst v34  }
0x133: {  	v59 =	vmul.bf16 v26, v13;
	v62 =	vmul.bf16 v23, v7;
	v30 =	vadd.bf16 v35, v47;
	v60 =	vld.idx.msk [tilespmem:v31+s4+$0x0], $0xffff  }
0x134: {  	v32 =	vadd.bf16 v63, v49;
	v61 =	vmul.bf16 v20, v10;
	v63 =	vmul.bf16 v28, v12  }
0x135: {  	v31 =	vshll.u32 v46, $0x6;
	v37 =	vadd.bf16 v37, v62;
	v35 =	vadd.bf16 v30, v59  }
0x136: {  	v28 =	vadd.bf16 v32, v61;
	v52 =	vor.u32 v0, v31;
	v30 =	vmul.bf16 v17, v14  }
0x137: {  	v57 =	vmul.bf16 v18, v15;
	v58 =	vadd.bf16 v37, v54;
	v53 =	vmul.bf16 v1, v35  }
0x138: {  	s28 =	sadd.s32 $0x5, s2;
	v61 =	vmul.bf16 v29, v16;
	v56 =	vadd.bf16 v28, v30;
	v30 =	vld.idx.msk [tilespmem:v36+s21+$0x0], $0xffff;
	v59 =	vadd.bf16 v60, v50  }
0x139: {  	v34 =	vmov s28;
	v29 =	vld.idx.msk [tilespmem:v40+s21+$0x0], $0xffff;
	v39 =	vadd.bf16 v58, v57;
	v32 =	vmax.bf16 v35, v53  }
0x13a: {  	s13 =	simm.s32 $0x6E00;
	v28 =	vld.idx.msk [tilespmem:v51+s21+$0x0], $0xffff;
	v62 =	vmul.bf16 v1, v56;
	v60 =	vunpack.i.l.bf16.f32 v32;
	v63 =	vadd.bf16 v59, v63  }
0x13b: {  	v38 =	vor.u32 v3, v22;
	v43 =	vld.idx.msk [tilespmem:v52+s4+$0x0], $0xffff;
	v32 =	vunpack.i.u.bf16.f32 v32;
	[tilespmem:s13+$0xFFFFFFC0] =	vst v60  }
0x13c: {  	v41 =	vmul.bf16 v1, v39;
	[tilespmem:s13+$0xFFFFFFD0] =	vst v32;
	v42 =	vmax.bf16 v56, v62;
	v32 =	vadd.bf16 v63, v61  }
0x13d: {  	s5 =	sor.u32 $0x40, s5;
	s14 =	simm.s32 $0x6;
	v37 =	vor.u32 v4, v33;
	v45 =	vmul.bf16 v30, v5;
	v40 =	vld.idx.msk [tilespmem:v55+s4+$0x0], $0xffff;
	v44 =	vunpack.i.l.bf16.f32 v42  }
.LBB2_12:
0x13e: {  	p0 =	sne.s32 s14, $0x3F;
	v33 =	vld.idx.msk [tilespmem:v34+s22+$0x0], $0xffff;
	v35 =	vunpack.i.u.bf16.f32 v42;
	[tilespmem:s11+$0xFFFFFFE0] =	vst v44;
	v36 =	vmax.bf16 v39, v41;
	v39 =	vmul.bf16 v1, v32;
	s26 =	smov.u32 s11;
	s11 =	smov.u32 s13  }
0x13f: {  	v41 =	vor.u32 $0x800, v34;
	v42 =	vmul.bf16 v28, v9;
	v46 =	vmovc v22;
	v22 =	vmovc v27;
	[tilespmem:s26+$0xFFFFFFF0] =	vst v35;
	v35 =	vunpack.i.l.bf16.f32 v36  }
0x140: {  	v43 =	vadd.bf16 v43, v45;
	v44 =	vunpack.i.u.bf16.f32 v36;
	v38 =	vld.idx.msk [tilespmem:v38+s4+$0x0], $0xffff;
	[tilespmem:s9+$0x0] =	vst v35;
	v32 =	vmax.bf16 v32, v39  }
0x141: {  	v27 =	vmovc v31;
	v36 =	vmul.bf16 v23, v8;
	v35 =	vmul.bf16 v24, v6;
	[tilespmem:s9+$0x10] =	vst v44;
	v45 =	vunpack.i.u.bf16.f32 v32  }
0x142: {  	v39 =	vor.u32 $0x400, v34;
	v42 =	vadd.bf16 v43, v42;
	v43 =	vmul.bf16 v29, v13;
	v37 =	vld.idx.msk [tilespmem:v37+s4+$0x0], $0xffff;
	[tilespmem:s8+$0x30] =	vst v45  }
0x143: {  	v23 =	vmovc v19;
	v44 =	vmul.bf16 v19, v7;
	v35 =	vadd.bf16 v40, v35;
	v40 =	vmul.bf16 v25, v10  }
0x144: {  	v19 =	vmovc v24;
	v24 =	vmovc v30;
	v31 =	vshll.u32 v33, $0x6;
	v33 =	vadd.bf16 v42, v43;
	v42 =	vmul.bf16 v21, v12  }
0x145: {  	v21 =	vmovc v20;
	v43 =	vor.u32 v0, v31;
	v35 =	vadd.bf16 v35, v40;
	v40 =	vmul.bf16 v26, v14  }
0x146: {  	v20 =	vmovc v25;
	v45 =	vmul.bf16 v1, v33;
	v38 =	vadd.bf16 v38, v44;
	v44 =	vmul.bf16 v21, v11  }
0x147: {  	v47 =	vor.u32 v2, v27;
	v35 =	vadd.bf16 v35, v40;
	v40 =	vmul.bf16 v17, v15;
	v30 =	vld.idx.msk [tilespmem:v34+s21+$0x0], $0xffff  }
0x148: {  	s28 =	sadd.s32 s14, s2;
	v25 =	vmovc v28;
	v33 =	vmax.bf16 v33, v45;
	v38 =	vadd.bf16 v38, v44;
	v36 =	vadd.bf16 v37, v36  }
.Ltmp4:
0x149: {  	v34 =	vmov s28;
	v44 =	vmul.bf16 v18, v16;
	v18 =	vmovc v17;
	v17 =	vmovc v26;
	v37 =	vunpack.i.l.bf16.f32 v33;
	v28 =	vld.idx.msk [tilespmem:v39+s21+$0x0], $0xffff;
	(pc) =	sbr.rel @p0 .LBB2_12-.Ltmp4, $4  }
0x14a: {  	s13 =	sadd.s32 $0x90, s13;
	v45 =	vmul.bf16 v1, v35;
	v39 =	vadd.bf16 v38, v40;
	v36 =	vadd.bf16 v36, v42;
	v43 =	vld.idx.msk [tilespmem:v43+s4+$0x0], $0xffff  }
0x14b: {  	v48 =	vunpack.i.l.bf16.f32 v32;
	v26 =	vmovc v29;
	v33 =	vunpack.i.u.bf16.f32 v33;
	v38 =	vor.u32 v3, v22;
	[tilespmem:s13+$0xFFFFFFC0] =	vst v37;
	v29 =	vld.idx.msk [tilespmem:v41+s21+$0x0], $0xffff  }
0x14c: {  	v42 =	vmax.bf16 v35, v45;
	v41 =	vmul.bf16 v1, v39;
	v32 =	vadd.bf16 v36, v44;
	[tilespmem:s13+$0xFFFFFFD0] =	vst v33  }
0x14d: {  	s14 =	sadd.s32 $0x1, s14;
	v44 =	vunpack.i.l.bf16.f32 v42;
	v37 =	vor.u32 v4, v46;
	v45 =	vmul.bf16 v30, v5;
	v40 =	vld.idx.msk [tilespmem:v47+s4+$0x0], $0xffff;
	[tilespmem:s8+$0x20] =	vst v48;
	s8 =	smov.u32 s9;
	s9 =	smov.u32 s26  }
0x14e: {  	_ =	sdelay $0x3  }
0x14f: {  	v33 =	vld.idx.msk [tilespmem:v34+s22+$0x0], $0xffff;
	_ =	sdelay $0x4  }
0x150: {  	v46 =	vor.u32 $0x400, v34;
	v36 =	vshll.u32 v33, $0x6  }
0x151: {  	v33 =	vor.u32 v0, v36;
	_ =	sdelay $0x1  }
0x152: {  	v47 =	vor.u32 $0x800, v34  }
0x153: {  	v35 =	vld.idx.msk [tilespmem:v34+s21+$0x0], $0xffff  }
0x154: {  	v34 =	vld.idx.msk [tilespmem:v46+s21+$0x0], $0xffff  }
0x155: {  	v52 =	vld.idx.msk [tilespmem:v33+s4+$0x0], $0xffff;
	_ =	sdelay $0x1  }
0x156: {  	v33 =	vld.idx.msk [tilespmem:v47+s21+$0x0], $0xffff  }
0x157: {  	v48 =	vmul.bf16 v28, v9;
	v43 =	vadd.bf16 v43, v45;
	v53 =	vmul.bf16 v35, v5  }
0x158: {  	v54 =	vmul.bf16 v29, v13  }
0x159: {  	v43 =	vadd.bf16 v43, v48;
	v55 =	vmul.bf16 v34, v9;
	v45 =	vadd.bf16 v52, v53;
	_ =	sdelay $0x1  }
0x15a: {  	v43 =	vadd.bf16 v43, v54;
	v56 =	vmul.bf16 v33, v13;
	v45 =	vadd.bf16 v45, v55;
	_ =	sdelay $0x1  }
0x15b: {  	v47 =	vmul.bf16 v1, v43;
	v45 =	vadd.bf16 v45, v56  }
0x15c: {  	v57 =	vor.u32 v2, v31  }
0x15d: {  	v43 =	vmax.bf16 v43, v47;
	v59 =	vmul.bf16 v1, v45  }
0x15e: {  	s14 =	sadd.s32 $0x90, s13;
	v60 =	vor.u32 v2, v36;
	v58 =	vunpack.i.l.bf16.f32 v43  }
0x15f: {  	v43 =	vunpack.i.u.bf16.f32 v43;
	[tilespmem:s14+$0xFFFFFFC0] =	vst v58;
	v61 =	vmax.bf16 v45, v59  }
0x160: {  	s26 =	sadd.s32 $0x90, s14;
	[tilespmem:s14+$0xFFFFFFD0] =	vst v43;
	v52 =	vunpack.i.l.bf16.f32 v61  }
0x161: {  	v62 =	vmul.bf16 v24, v6;
	v63 =	vld.idx.msk [tilespmem:v57+s4+$0x0], $0xffff;
	v43 =	vunpack.i.u.bf16.f32 v61;
	[tilespmem:s26+$0xFFFFFFC0] =	vst v52  }
0x162: {  	[tilespmem:s26+$0xFFFFFFD0] =	vst v43  }
0x163: {  	v40 =	vadd.bf16 v40, v62;
	v53 =	vmul.bf16 v25, v10;
	v46 =	vld.idx.msk [tilespmem:v60+s4+$0x0], $0xffff  }
0x164: {  	v54 =	vmul.bf16 v30, v6  }
0x165: {  	v40 =	vadd.bf16 v40, v53;
	v55 =	vmul.bf16 v26, v14  }
0x166: {  	v57 =	vmul.bf16 v35, v6;
	v56 =	vmul.bf16 v28, v10;
	v43 =	vadd.bf16 v63, v54  }
0x167: {  	v42 =	vunpack.i.u.bf16.f32 v42;
	v58 =	vmul.bf16 v29, v14;
	v40 =	vadd.bf16 v40, v55  }
0x168: {  	[tilespmem:s11+$0xFFFFFFE0] =	vst v44;
	v60 =	vmul.bf16 v34, v10;
	v43 =	vadd.bf16 v43, v56;
	v59 =	vadd.bf16 v46, v57  }
0x169: {  	v39 =	vmax.bf16 v39, v41;
	[tilespmem:s11+$0xFFFFFFF0] =	vst v42;
	v62 =	vor.u32 v3, v27;
	v61 =	vmul.bf16 v1, v40  }
0x16a: {  	v38 =	vld.idx.msk [tilespmem:v38+s4+$0x0], $0xffff;
	v48 =	vmul.bf16 v33, v14;
	v42 =	vadd.bf16 v43, v58;
	v63 =	vadd.bf16 v59, v60  }
0x16b: {  	v49 =	vunpack.i.l.bf16.f32 v39;
	v40 =	vmax.bf16 v40, v61  }
0x16c: {  	[tilespmem:s9+$0x0] =	vst v49;
	v51 =	vunpack.i.l.bf16.f32 v40;
	v52 =	vmul.bf16 v1, v42;
	v43 =	vadd.bf16 v63, v48  }
0x16d: {  	v50 =	vmul.bf16 v19, v7;
	v53 =	vor.u32 v3, v31;
	v40 =	vunpack.i.u.bf16.f32 v40;
	[tilespmem:s13+$0xFFFFFFE0] =	vst v51  }
0x16e: {  	v39 =	vunpack.i.u.bf16.f32 v39;
	[tilespmem:s13+$0xFFFFFFF0] =	vst v40;
	v54 =	vmax.bf16 v42, v52;
	v55 =	vmul.bf16 v1, v43  }
0x16f: {  	[tilespmem:s9+$0x10] =	vst v39;
	v38 =	vadd.bf16 v38, v50;
	v58 =	vor.u32 v3, v36;
	v57 =	vld.idx.msk [tilespmem:v62+s4+$0x0], $0xffff;
	v44 =	vunpack.i.l.bf16.f32 v54  }
0x170: {  	v56 =	vmul.bf16 v20, v11;
	v40 =	vunpack.i.u.bf16.f32 v54;
	[tilespmem:s14+$0xFFFFFFE0] =	vst v44;
	v41 =	vmax.bf16 v43, v55  }
0x171: {  	v23 =	vmul.bf16 v23, v8;
	v37 =	vld.idx.msk [tilespmem:v37+s4+$0x0], $0xffff;
	v61 =	vmul.bf16 v24, v7;
	[tilespmem:s14+$0xFFFFFFF0] =	vst v40;
	v60 =	vunpack.i.l.bf16.f32 v41  }
0x172: {  	v38 =	vadd.bf16 v38, v56;
	v59 =	vmul.bf16 v17, v15;
	v44 =	vld.idx.msk [tilespmem:v53+s4+$0x0], $0xffff;
	v41 =	vunpack.i.u.bf16.f32 v41;
	[tilespmem:s26+$0xFFFFFFE0] =	vst v60  }
0x173: {  	v21 =	vmul.bf16 v21, v12;
	v18 =	vmul.bf16 v18, v16;
	[tilespmem:s26+$0xFFFFFFF0] =	vst v41  }
0x174: {  	v62 =	vmul.bf16 v25, v11;
	v38 =	vadd.bf16 v38, v59;
	v40 =	vadd.bf16 v57, v61;
	v63 =	vld.idx.msk [tilespmem:v58+s4+$0x0], $0xffff  }
0x175: {  	v22 =	vor.u32 v4, v22;
	v49 =	vmul.bf16 v30, v7;
	v50 =	vmul.bf16 v26, v15  }
0x176: {  	v23 =	vadd.bf16 v37, v23;
	v48 =	vmul.bf16 v1, v38;
	v40 =	vadd.bf16 v40, v62  }
0x177: {  	v52 =	vmul.bf16 v28, v11;
	v53 =	vmul.bf16 v35, v7;
	v51 =	vadd.bf16 v44, v49  }
0x178: {  	v56 =	vmul.bf16 v34, v11;
	v37 =	vmax.bf16 v38, v48;
	v54 =	vadd.bf16 v40, v50  }
0x179: {  	v55 =	vmul.bf16 v29, v15;
	v41 =	vadd.bf16 v51, v52;
	v42 =	vadd.bf16 v63, v53  }
0x17a: {  	v59 =	vmul.bf16 v33, v15;
	v57 =	vunpack.i.l.bf16.f32 v37;
	v45 =	vmul.bf16 v1, v54  }
0x17b: {  	v58 =	vor.u32 v4, v27;
	v40 =	vadd.bf16 v41, v55;
	v42 =	vadd.bf16 v42, v56  }
0x17c: {  	v19 =	vmul.bf16 v19, v8;
	v37 =	vunpack.i.u.bf16.f32 v37;
	[tilespmem:s11+$0x0] =	vst v57;
	v38 =	vmax.bf16 v54, v45  }
0x17d: {  	[tilespmem:s11+$0x10] =	vst v37;
	v60 =	vunpack.i.l.bf16.f32 v38;
	v61 =	vmul.bf16 v1, v40;
	v41 =	vadd.bf16 v42, v59  }
0x17e: {  	v21 =	vadd.bf16 v23, v21;
	v22 =	vld.idx.msk [tilespmem:v22+s4+$0x0], $0xffff;
	v62 =	vunpack.i.u.bf16.f32 v38;
	[tilespmem:s13+$0x0] =	vst v60;
	v63 =	vor.u32 v4, v31  }
0x17f: {  	v39 =	vmul.bf16 v1, v32;
	[tilespmem:s13+$0x10] =	vst v62;
	v40 =	vmax.bf16 v40, v61;
	v42 =	vmul.bf16 v1, v41  }
0x180: {  	v18 =	vadd.bf16 v21, v18;
	v36 =	vor.u32 v4, v36;
	v43 =	vld.idx.msk [tilespmem:v58+s4+$0x0], $0xffff;
	v44 =	vunpack.i.l.bf16.f32 v40  }
0x181: {  	v32 =	vmax.bf16 v32, v39;
	v23 =	vunpack.i.u.bf16.f32 v40;
	[tilespmem:s14+$0x0] =	vst v44;
	v45 =	vmax.bf16 v41, v42  }
0x182: {  	v47 =	vmul.bf16 v20, v12;
	v46 =	vmul.bf16 v1, v18;
	[tilespmem:s14+$0x10] =	vst v23;
	v48 =	vunpack.i.l.bf16.f32 v45  }
0x183: {  	v49 =	vmul.bf16 v24, v8;
	v19 =	vadd.bf16 v22, v19;
	v50 =	vld.idx.msk [tilespmem:v63+s4+$0x0], $0xffff;
	v27 =	vunpack.i.u.bf16.f32 v45;
	[tilespmem:s26+$0x0] =	vst v48  }
0x184: {  	v18 =	vmax.bf16 v18, v46;
	v17 =	vmul.bf16 v17, v16;
	v57 =	vmul.bf16 v28, v12;
	[tilespmem:s26+$0x10] =	vst v27  }
0x185: {  	v52 =	vmul.bf16 v25, v12;
	v19 =	vadd.bf16 v19, v47;
	v21 =	vadd.bf16 v43, v49;
	v53 =	vld.idx.msk [tilespmem:v36+s4+$0x0], $0xffff  }
0x186: {  	v51 =	vunpack.i.u.bf16.f32 v32;
	v54 =	vunpack.i.l.bf16.f32 v32;
	v56 =	vmul.bf16 v30, v8  }
0x187: {  	v17 =	vadd.bf16 v19, v17;
	v19 =	vmul.bf16 v26, v16;
	v20 =	vadd.bf16 v21, v52  }
0x188: {  	v55 =	vunpack.i.u.bf16.f32 v18;
	v58 =	vmul.bf16 v35, v8;
	v24 =	vadd.bf16 v50, v56  }
0x189: {  	v60 =	vmul.bf16 v29, v16;
	v59 =	vmul.bf16 v1, v17;
	v19 =	vadd.bf16 v20, v19  }
0x18a: {  	[tilespmem:s8+$0x30] =	vst v51;
	v61 =	vmul.bf16 v34, v12;
	v21 =	vadd.bf16 v24, v57;
	v22 =	vadd.bf16 v53, v58  }
0x18b: {  	[tilespmem:s8+$0x20] =	vst v54;
	v18 =	vunpack.i.l.bf16.f32 v18;
	v63 =	vmul.bf16 v33, v16;
	v17 =	vmax.bf16 v17, v59  }
0x18c: {  	[tilespmem:s9+$0x30] =	vst v55;
	v62 =	vmul.bf16 v1, v19;
	v20 =	vadd.bf16 v21, v60;
	v22 =	vadd.bf16 v22, v61  }
0x18d: {  	[tilespmem:s9+$0x20] =	vst v18;
	v18 =	vunpack.i.u.bf16.f32 v17;
	v17 =	vunpack.i.l.bf16.f32 v17  }
0x18e: {  	[tilespmem:s11+$0x30] =	vst v18;
	v18 =	vmax.bf16 v19, v62;
	v19 =	vmul.bf16 v1, v20;
	v21 =	vadd.bf16 v22, v63  }
0x18f: {  	[tilespmem:s11+$0x20] =	vst v17;
	v17 =	vunpack.i.u.bf16.f32 v18  }
0x190: {  	s18 =	sadd.s32 $0x1, s18;
	[tilespmem:s13+$0x30] =	vst v17;
	v17 =	vunpack.i.l.bf16.f32 v18;
	v18 =	vmax.bf16 v20, v19;
	v19 =	vmul.bf16 v1, v21  }
0x191: {  	p0 =	sne.s32 s18, $0x8;
	[tilespmem:s13+$0x20] =	vst v17;
	v17 =	vunpack.i.u.bf16.f32 v18  }
.Ltmp5:
0x192: {  	[tilespmem:s14+$0x30] =	vst v17;
	v17 =	vunpack.i.l.bf16.f32 v18;
	v18 =	vmax.bf16 v21, v19;
	(pc) =	sbr.rel @p0 .LBB2_9-.Ltmp5, $4  }
0x193: {  	[tilespmem:s14+$0x20] =	vst v17;
	v17 =	vunpack.i.u.bf16.f32 v18  }
0x194: {  	[tilespmem:s26+$0x30] =	vst v17;
	v17 =	vunpack.i.l.bf16.f32 v18  }
0x195: {  	s5 =	sadd.s32 $0x3800, s5;
	s0 =	sadd.s32 $0x80, s0;
	s2 =	sadd.s32 $0x80, s2;
	[tilespmem:s26+$0x20] =	vst v17  }
0x196: {  	[spmem:s3] =	stream.indirect.scatter.add.f32 [tilespmem:s25], [sflag:$0x2], $0x90, s5, s23, $0xb8;
	[tilespmem:$0x1F810] =	vst v63  }
0x197: {  	s31 =	sadd.s32 $0x1, s31  }
0x198: {  	p0 =	sne.s32 s31, $0x14  }
.Ltmp6:
0x199: {  	_ = 	snop;
	(pc) =	sbr.rel @p0 .LBB2_6-.Ltmp6, $1  }
0x19a: {  	_ =	sdelay $0x3  }
0x19b: {  	s0 =	simm.s32 $0x1  }
0x19c: {  	_ =	swait.ge [sflag:s0], $0x2400  }
0x19d: {  	[sflag:s0] =	ssyncset.done $0x0  }
0x19e: {  	s26 =	simm.s32 $0x2;
	[sflag:s0] =	ssyncadd.s32 $0xFFFFDC00  }
0x19f: {  	_ =	swait.ge [sflag:s26], $0x2400  }
0x1a0: {  	[sflag:s26] =	ssyncset.done $0x0  }
0x1a1: {  	[sflag:s26] =	ssyncadd.s32 $0xFFFFDC00  }
0x1a2: {  	[bflag:$0x0] =	sbarrier.arrive $0xFFFF  }
0x1a3: {  	s28 =	rddreg [dreg:$0x9]  }
0x1a4: {  	[hbm:s28], [sflag:s10] =	dma.local [spmem:s15], $0x2D00  }
0x1a5: {  	_ =	swait.ge [sflag:s16], $0x2D00  }
0x1a6: {  	s29 =	sadd.s32 $0x1, s29;
	s31 =	rddreg [dreg:$0xa]  }
0x1a7: {  	p0 =	sne.s32 s29, s31  }
.Ltmp7:
0x1a8: {  	_ = 	snop;
	(pc) =	sbr.rel @p0 .LBB2_1-.Ltmp7, $3  }
0x1a9: {  	_ =	sdelay $0x1  }
0x1aa: {  	[sflag:s16] =	ssyncset.done $0x0  }
0x1ab: {  	[sflag:s16] =	ssyncadd.s32 $0xFFFFD300  }
0x1ac: {  	_ =	sfence.sel $0x180000  }
0x1ad: {  	[bflag:$0x0] =	sbarrier.arrive $0xFFFF  }
0x1ae: {  	_ =	strace $0x90000047  }
0x1af: {  	s0 =	stileid.u32;
	[bflag:$0x2] =	sbarrier.arrive $0xFFFF  }
0x1b0: {  	p0 =	sne.s32 s0, $0x0;
	s0 =	rddreg [dreg:$0x4]  }
0x1b1: {  	s0 =	sadd.s32 @!p0 $0x100000, s0  }
0x1b2: {  	[sflag:s0] =	ssyncadd.tile.s32 @!p0 $0x1;
	_ =	shalt  }
.Lfunc_end2:
_tile_overlayer_lowered:
.L_overlay_start_2:
0x1b3: {  	(tag) =	ssettag $0x2  }
0x1b4: {  	s0 =	rddreg [dreg:$0x0];
	s2 =	stileid.u32  }
0x1b5: {  	s1 =	rddreg [dreg:$0x1];
	p0 =	sne.s32 s2, $0x0  }
0x1b6: {  	s3 =	rddreg [dreg:$0x2];
	[bflag:$0x3] =	sbarrier.arrive $0xFFFF;
	s2 =	simm.s32 @!p0 $0x1C03  }
0x1b7: {  	[timem:s3], [sflag:s2] =	dma.local @!p0 [hbm:s0], s1  }
0x1b8: {  	s0 =	simm.s32 @!p0 $0x3  }
0x1b9: {  	_ =	swait.ge @!p0 [sflag:s0], s1  }
0x1ba: {  	s1 =	ssub.s32 @!p0 $0x0, s1;
	[sflag:s0] =	ssyncset.done @!p0 $0x0  }
0x1bb: {  	[sflag:s0] =	ssyncadd.s32 @!p0 s1  }
0x1bc: {  	[bflag:$0x3] =	sbarrier.arrive $0xFFFF  }
0x1bd: {  	_ =	shalt  }

</sc_bundles>
